<compile_context>
chip_gen: v7x
topology: tpu7x:2x2x1
jax: 0.10.2.dev20260603
libtpu: 0.0.44.dev20260713+nightly
codegen_flags: <defaults>
</compile_context>

<pallas_src>
import functools

import jax
import jax.numpy as jnp
from jax import lax
from jax.experimental import pallas as pl
from jax.experimental.pallas import tpu as pltpu
from jax.experimental.pallas import tpu_sc as plsc

B, S = 1024, 50
VOCAB = 1000
NC, NS, L = 2, 16, 16
NW = NC * NS
NCOL = B // 128
NSSUB = NW // NCOL
CV = 200
NVC = VOCAB // CV
NRING = 2

_mesh = plsc.VectorSubcoreMesh(core_axis_name="c", subcore_axis_name="s")


@functools.partial(
    pl.kernel,
    mesh=_mesh,
    out_type=jax.ShapeDtypeStruct((S, VOCAB, B), jnp.float32),
    scratch_types=[
        pltpu.VMEM((S, 128), jnp.int32),
        *([pltpu.VMEM((CV, 128), jnp.float32)] * NRING),
        pltpu.SemaphoreType.DMA,
        *([pltpu.SemaphoreType.DMA] * NRING),
    ],
    compiler_params=pltpu.CompilerParams(needs_layout_passes=False),
)
def _onehot_sc(x_hbm, out_hbm, idx_v, *bufs_sems):
    bufs = tuple(zip(bufs_sems[:NRING], bufs_sems[NRING + 1:]))
    idx_sem = bufs_sems[NRING]
    wid = lax.axis_index("s") * NC + lax.axis_index("c")
    col = wid % NCOL
    r = wid // NCOL
    ns = jnp.where(r < NSSUB // 2, (S + NSSUB - 1) // NSSUB, S // NSSUB)
    nch = ns * NVC

    idx_src = x_hbm.at[pl.ds(0, S), pl.ds(col * 128, 128)]
    pltpu.async_copy(idx_src, idx_v, idx_sem)

    zeros = jnp.zeros((L,), jnp.float32)
    ones = jnp.ones((L,), jnp.float32)
    lane = lax.iota(jnp.int32, L)

    def zero_body(i, carry):
        for buf, _ in bufs:
            for g in range(128 // L):
                buf[i, pl.ds(g * L, L)] = zeros
        return carry

    lax.fori_loop(0, CV, zero_body, 0)
    pltpu.make_async_copy(idx_src, idx_v, idx_sem).wait()

    def put(buf, cid, val):
        s = (cid // NVC) * NSSUB + r
        v0 = (cid % NVC) * CV
        for g in range(128 // L):
            bl = g * L + lane
            v_vec = idx_v[s, pl.ds(g * L, L)]
            m = (v_vec >= v0) & (v_vec < v0 + CV)
            plsc.store_scatter(buf, [v_vec - v0, bl], val, mask=m)

    def chunk_body(i, carry):
        for slot, (buf, sem) in enumerate(bufs):
            cid = NRING * i + slot

            @pl.when(cid < nch)
            def _():
                @pl.when(cid >= NRING)
                def _():
                    pltpu.make_async_copy(buf, out_hbm.at[0].at[pl.ds(0, CV), pl.ds(0, 128)], sem).wait()
                    put(buf, cid - NRING, zeros)

                put(buf, cid, ones)
                s = (cid // NVC) * NSSUB + r
                v0 = (cid % NVC) * CV
                dst = out_hbm.at[s].at[pl.ds(v0, CV), pl.ds(col * 128, 128)]
                pltpu.async_copy(buf, dst, sem)
        return carry

    max_nch = ((S + NSSUB - 1) // NSSUB) * NVC
    lax.fori_loop(0, (max_nch + NRING - 1) // NRING, chunk_body, 0)
    for buf, sem in bufs:
        pltpu.make_async_copy(buf, out_hbm.at[0].at[pl.ds(0, CV), pl.ds(0, 128)], sem).wait()


def kernel(X):
    xt = X.T.astype(jnp.int32)
    return jnp.transpose(_onehot_sc(xt), (2, 0, 1))

# --- scband reference (transcript-rebuilt; emitter-appended) ---
"""Pipeline reference for scband-one-hot-encoding-65266323030522 (READ-ONLY COPY).

The authoritative reference and input builder live on the scoring server;
editing this copy changes nothing except your own understanding.
"""

import jax, jax.numpy as jnp
import numpy as np

VOCAB_SIZE = 1000

def setup_inputs(seed: int = 0) -> dict:
    key = jax.random.key(seed)
    X = jax.random.randint(key, (1024, 50), 0, VOCAB_SIZE, dtype=jnp.int64 if jax.config.jax_enable_x64 else jnp.int32)
    return {"X": X}

def reference(X) -> jnp.ndarray:
    # Faithful translation of K.one_hot(X, vocab_size):
    # produces float32 one-hot of shape X.shape + (vocab_size,)
    return jax.nn.one_hot(X, VOCAB_SIZE, dtype=jnp.float32)

if __name__ == "__main__":
    import jax
    _d = setup_inputs()
    print(jax.jit(kernel)(*tuple(_d.values())))

</pallas_src>

<mosaic_0001>
#map = affine_map<(d0, d1) -> (0, 0)>
#map1 = affine_map<(d0, d1) -> (0, 0, 0)>
module attributes {stable_mosaic.version = 14 : i64} {
  func.func @_onehot_sc(%arg0: i32, %arg1: i32, %arg2: memref<50x1024xi32, #tpu.memory_space<hbm>>, %arg3: memref<50x1000x1024xf32, #tpu.memory_space<hbm>>, %arg4: memref<50x128xi32, #tpu.memory_space<vmem>>, %arg5: memref<200x128xf32, #tpu.memory_space<vmem>>, %arg6: memref<200x128xf32, #tpu.memory_space<vmem>>, %arg7: memref<!tpu.dma_semaphore, #tpu.memory_space<semaphore_mem>>, %arg8: memref<!tpu.dma_semaphore, #tpu.memory_space<semaphore_mem>>, %arg9: memref<!tpu.dma_semaphore, #tpu.memory_space<semaphore_mem>>) attributes {dimension_semantics = [#tpu.dimension_semantics<core_parallel>, #tpu.dimension_semantics<subcore_parallel>], iteration_bounds = array<i64: 2, 16>, scalar_prefetch = 0 : i64, scratch_operands = 6 : i64, tpu.core_type = #tpu.core_type<sc_vector_subcore>, window_params = [{transform_indices = #map}, {transform_indices = #map1}]} {
    %mul3A = arith.constant 2 : i32
    %mul3A_0 = arith.muli %arg1, %mul3A : i32
    %add3A = arith.addi %mul3A_0, %arg0 : i32
    %jit3A = arith.constant 8 : i32
    %eq3A = arith.constant 0 : i32
    %eq3A_1 = arith.cmpi eq, %jit3A, %eq3A : i32
    %jit3A_2 = arith.constant 1 : i32
    %select_n3A = arith.select %eq3A_1, %jit3A_2, %jit3A : i32
    %rem3A = arith.remsi %add3A, %select_n3A : i32
    %ne3A = arith.constant 0 : i32
    %ne3A_3 = arith.cmpi ne, %rem3A, %ne3A : i32
    %lt3A = arith.constant 0 : i32
    %lt3A_4 = arith.cmpi slt, %rem3A, %lt3A : i32
    %lt3A_5 = arith.constant 0 : i32
    %lt3A_6 = arith.cmpi slt, %select_n3A, %lt3A_5 : i32
    %ne3A_7 = arith.xori %lt3A_4, %lt3A_6 : i1
    %and3A = arith.andi %ne3A_7, %ne3A_3 : i1
    %add3A_8 = arith.addi %rem3A, %select_n3A : i32
    %select_n3A_9 = arith.select %and3A, %add3A_8, %rem3A : i32
    %jit3A_10 = arith.constant 8 : i32
    %div3A = arith.divsi %add3A, %jit3A_10 : i32
    %sign3A = arith.constant 0 : i32
    %sign3A_11 = arith.cmpi sgt, %add3A, %sign3A : i32
    %sign3A_12 = arith.extui %sign3A_11 : i1 to i32
    %sign3A_13 = arith.constant 0 : i32
    %sign3A_14 = arith.cmpi slt, %add3A, %sign3A_13 : i32
    %sign3A_15 = arith.extui %sign3A_14 : i1 to i32
    %sign3A_16 = arith.subi %sign3A_12, %sign3A_15 : i32
    %sign3A_17 = arith.constant 0 : i32
    %sign3A_18 = arith.cmpi sgt, %jit3A_10, %sign3A_17 : i32
    %sign3A_19 = arith.extui %sign3A_18 : i1 to i32
    %sign3A_20 = arith.constant 0 : i32
    %sign3A_21 = arith.cmpi slt, %jit3A_10, %sign3A_20 : i32
    %sign3A_22 = arith.extui %sign3A_21 : i1 to i32
    %sign3A_23 = arith.subi %sign3A_19, %sign3A_22 : i32
    %ne3A_24 = arith.cmpi ne, %sign3A_16, %sign3A_23 : i32
    %rem3A_25 = arith.remsi %add3A, %jit3A_10 : i32
    %ne3A_26 = arith.constant 0 : i32
    %ne3A_27 = arith.cmpi ne, %rem3A_25, %ne3A_26 : i32
    %and3A_28 = arith.andi %ne3A_24, %ne3A_27 : i1
    %sub3A = arith.constant 1 : i32
    %sub3A_29 = arith.subi %div3A, %sub3A : i32
    %select_n3A_30 = arith.select %and3A_28, %sub3A_29, %div3A : i32
    %lt3A_31 = arith.constant 2 : i32
    %lt3A_32 = arith.cmpi slt, %select_n3A_30, %lt3A_31 : i32
    %jit3A_33 = arith.constant 13 : i32
    %jit3A_34 = arith.constant 12 : i32
    %select_n3A_35 = arith.select %lt3A_32, %jit3A_33, %jit3A_34 : i32
    %mul3A_36 = arith.constant 5 : i32
    %mul3A_37 = arith.muli %select_n3A_35, %mul3A_36 : i32
    %mul3A_38 = arith.constant 128 : i32
    %mul3A_39 = arith.muli %select_n3A_9, %mul3A_38 : i32
    %dma_start3A = arith.constant 0 : i32
    %dma_start3A_40 = tpu.memref_slice %arg2[%dma_start3A, %mul3A_39] : memref<50x1024xi32, #tpu.memory_space<hbm>> -> memref<50x128xi32, #tpu.memory_space<hbm>>
    %dma_start3A_41 = arith.constant 0 : i32
    %dma_start3A_42 = tpu.memref_slice %arg2[%dma_start3A_41, %mul3A_39] : memref<50x1024xi32, #tpu.memory_space<hbm>> -> memref<50x128xi32, #tpu.memory_space<hbm>>
    tpu.enqueue_dma source(%dma_start3A_42 : memref<50x128xi32, #tpu.memory_space<hbm>>) target(%arg4 : memref<50x128xi32, #tpu.memory_space<vmem>>) target_semaphore(%arg7 : memref<!tpu.dma_semaphore, #tpu.memory_space<semaphore_mem>>)
    %broadcast_in_dim3A = arith.constant 0.000000e+00 : f32
    %broadcast_in_dim3A_43 = vector.broadcast %broadcast_in_dim3A : f32 to vector<16xf32>
    %broadcast_in_dim3A_44 = arith.constant 1.000000e+00 : f32
    %broadcast_in_dim3A_45 = vector.broadcast %broadcast_in_dim3A_44 : f32 to vector<16xf32>
    %iota3A = tpu.iota {dimensions = array<i32: 0>} : vector<16xi32>
    %scan3A = arith.constant 0 : i32
    %scan3A_46 = arith.constant 0 : i32
    %scan3A_47 = arith.constant 200 : i32
    %scan3A_48 = arith.addi %scan3A_46, %scan3A_47 : i32
    %scan3A_49 = arith.constant 1 : i32
    scf.for %scan3A_90 = %scan3A_46 to %scan3A_48 step %scan3A_49  : i32 {
      %swap3A = arith.index_cast %scan3A_90 : i32 to index
      %swap3A_91 = arith.constant 0 : index
      %swap3A_92 = tpu.vector_load %arg5[%swap3A, %swap3A_91] {strides = array<i32>} : memref<200x128xf32, #tpu.memory_space<vmem>>, vector<16xf32>,
      tpu.vector_store %arg5[%swap3A, %swap3A_91], %broadcast_in_dim3A_43 {strides = array<i32>} : memref<200x128xf32, #tpu.memory_space<vmem>>, vector<16xf32>,
      %swap3A_93 = arith.index_cast %scan3A_90 : i32 to index
      %swap3A_94 = arith.constant 16 : index
      %swap3A_95 = tpu.vector_load %arg5[%swap3A_93, %swap3A_94] {strides = array<i32>} : memref<200x128xf32, #tpu.memory_space<vmem>>, vector<16xf32>,
      tpu.vector_store %arg5[%swap3A_93, %swap3A_94], %broadcast_in_dim3A_43 {strides = array<i32>} : memref<200x128xf32, #tpu.memory_space<vmem>>, vector<16xf32>,
      %swap3A_96 = arith.index_cast %scan3A_90 : i32 to index
      %swap3A_97 = arith.constant 32 : index
      %swap3A_98 = tpu.vector_load %arg5[%swap3A_96, %swap3A_97] {strides = array<i32>} : memref<200x128xf32, #tpu.memory_space<vmem>>, vector<16xf32>,
      tpu.vector_store %arg5[%swap3A_96, %swap3A_97], %broadcast_in_dim3A_43 {strides = array<i32>} : memref<200x128xf32, #tpu.memory_space<vmem>>, vector<16xf32>,
      %swap3A_99 = arith.index_cast %scan3A_90 : i32 to index
      %swap3A_100 = arith.constant 48 : index
      %swap3A_101 = tpu.vector_load %arg5[%swap3A_99, %swap3A_100] {strides = array<i32>} : memref<200x128xf32, #tpu.memory_space<vmem>>, vector<16xf32>,
      tpu.vector_store %arg5[%swap3A_99, %swap3A_100], %broadcast_in_dim3A_43 {strides = array<i32>} : memref<200x128xf32, #tpu.memory_space<vmem>>, vector<16xf32>,
      %swap3A_102 = arith.index_cast %scan3A_90 : i32 to index
      %swap3A_103 = arith.constant 64 : index
      %swap3A_104 = tpu.vector_load %arg5[%swap3A_102, %swap3A_103] {strides = array<i32>} : memref<200x128xf32, #tpu.memory_space<vmem>>, vector<16xf32>,
      tpu.vector_store %arg5[%swap3A_102, %swap3A_103], %broadcast_in_dim3A_43 {strides = array<i32>} : memref<200x128xf32, #tpu.memory_space<vmem>>, vector<16xf32>,
      %swap3A_105 = arith.index_cast %scan3A_90 : i32 to index
      %swap3A_106 = arith.constant 80 : index
      %swap3A_107 = tpu.vector_load %arg5[%swap3A_105, %swap3A_106] {strides = array<i32>} : memref<200x128xf32, #tpu.memory_space<vmem>>, vector<16xf32>,
      tpu.vector_store %arg5[%swap3A_105, %swap3A_106], %broadcast_in_dim3A_43 {strides = array<i32>} : memref<200x128xf32, #tpu.memory_space<vmem>>, vector<16xf32>,
      %swap3A_108 = arith.index_cast %scan3A_90 : i32 to index
      %swap3A_109 = arith.constant 96 : index
      %swap3A_110 = tpu.vector_load %arg5[%swap3A_108, %swap3A_109] {strides = array<i32>} : memref<200x128xf32, #tpu.memory_space<vmem>>, vector<16xf32>,
      tpu.vector_store %arg5[%swap3A_108, %swap3A_109], %broadcast_in_dim3A_43 {strides = array<i32>} : memref<200x128xf32, #tpu.memory_space<vmem>>, vector<16xf32>,
      %swap3A_111 = arith.index_cast %scan3A_90 : i32 to index
      %swap3A_112 = arith.constant 112 : index
      %swap3A_113 = tpu.vector_load %arg5[%swap3A_111, %swap3A_112] {strides = array<i32>} : memref<200x128xf32, #tpu.memory_space<vmem>>, vector<16xf32>,
      tpu.vector_store %arg5[%swap3A_111, %swap3A_112], %broadcast_in_dim3A_43 {strides = array<i32>} : memref<200x128xf32, #tpu.memory_space<vmem>>, vector<16xf32>,
      %swap3A_114 = arith.index_cast %scan3A_90 : i32 to index
      %swap3A_115 = arith.constant 0 : index
      %swap3A_116 = tpu.vector_load %arg6[%swap3A_114, %swap3A_115] {strides = array<i32>} : memref<200x128xf32, #tpu.memory_space<vmem>>, vector<16xf32>,
      tpu.vector_store %arg6[%swap3A_114, %swap3A_115], %broadcast_in_dim3A_43 {strides = array<i32>} : memref<200x128xf32, #tpu.memory_space<vmem>>, vector<16xf32>,
      %swap3A_117 = arith.index_cast %scan3A_90 : i32 to index
      %swap3A_118 = arith.constant 16 : index
      %swap3A_119 = tpu.vector_load %arg6[%swap3A_117, %swap3A_118] {strides = array<i32>} : memref<200x128xf32, #tpu.memory_space<vmem>>, vector<16xf32>,
      tpu.vector_store %arg6[%swap3A_117, %swap3A_118], %broadcast_in_dim3A_43 {strides = array<i32>} : memref<200x128xf32, #tpu.memory_space<vmem>>, vector<16xf32>,
      %swap3A_120 = arith.index_cast %scan3A_90 : i32 to index
      %swap3A_121 = arith.constant 32 : index
      %swap3A_122 = tpu.vector_load %arg6[%swap3A_120, %swap3A_121] {strides = array<i32>} : memref<200x128xf32, #tpu.memory_space<vmem>>, vector<16xf32>,
      tpu.vector_store %arg6[%swap3A_120, %swap3A_121], %broadcast_in_dim3A_43 {strides = array<i32>} : memref<200x128xf32, #tpu.memory_space<vmem>>, vector<16xf32>,
      %swap3A_123 = arith.index_cast %scan3A_90 : i32 to index
      %swap3A_124 = arith.constant 48 : index
      %swap3A_125 = tpu.vector_load %arg6[%swap3A_123, %swap3A_124] {strides = array<i32>} : memref<200x128xf32, #tpu.memory_space<vmem>>, vector<16xf32>,
      tpu.vector_store %arg6[%swap3A_123, %swap3A_124], %broadcast_in_dim3A_43 {strides = array<i32>} : memref<200x128xf32, #tpu.memory_space<vmem>>, vector<16xf32>,
      %swap3A_126 = arith.index_cast %scan3A_90 : i32 to index
      %swap3A_127 = arith.constant 64 : index
      %swap3A_128 = tpu.vector_load %arg6[%swap3A_126, %swap3A_127] {strides = array<i32>} : memref<200x128xf32, #tpu.memory_space<vmem>>, vector<16xf32>,
      tpu.vector_store %arg6[%swap3A_126, %swap3A_127], %broadcast_in_dim3A_43 {strides = array<i32>} : memref<200x128xf32, #tpu.memory_space<vmem>>, vector<16xf32>,
      %swap3A_129 = arith.index_cast %scan3A_90 : i32 to index
      %swap3A_130 = arith.constant 80 : index
      %swap3A_131 = tpu.vector_load %arg6[%swap3A_129, %swap3A_130] {strides = array<i32>} : memref<200x128xf32, #tpu.memory_space<vmem>>, vector<16xf32>,
      tpu.vector_store %arg6[%swap3A_129, %swap3A_130], %broadcast_in_dim3A_43 {strides = array<i32>} : memref<200x128xf32, #tpu.memory_space<vmem>>, vector<16xf32>,
      %swap3A_132 = arith.index_cast %scan3A_90 : i32 to index
      %swap3A_133 = arith.constant 96 : index
      %swap3A_134 = tpu.vector_load %arg6[%swap3A_132, %swap3A_133] {strides = array<i32>} : memref<200x128xf32, #tpu.memory_space<vmem>>, vector<16xf32>,
      tpu.vector_store %arg6[%swap3A_132, %swap3A_133], %broadcast_in_dim3A_43 {strides = array<i32>} : memref<200x128xf32, #tpu.memory_space<vmem>>, vector<16xf32>,
      %swap3A_135 = arith.index_cast %scan3A_90 : i32 to index
      %swap3A_136 = arith.constant 112 : index
      %swap3A_137 = tpu.vector_load %arg6[%swap3A_135, %swap3A_136] {strides = array<i32>} : memref<200x128xf32, #tpu.memory_space<vmem>>, vector<16xf32>,
      tpu.vector_store %arg6[%swap3A_135, %swap3A_136], %broadcast_in_dim3A_43 {strides = array<i32>} : memref<200x128xf32, #tpu.memory_space<vmem>>, vector<16xf32>,
    }
    %scan3A_50 = arith.constant 200 : i32
    %dma_wait3A = arith.constant 0 : i32
    %dma_wait3A_51 = tpu.memref_slice %arg2[%dma_wait3A, %mul3A_39] : memref<50x1024xi32, #tpu.memory_space<hbm>> -> memref<50x128xi32, #tpu.memory_space<hbm>>
    %dma_wait3A_52 = arith.constant 0 : i32
    %dma_wait3A_53 = tpu.memref_slice %arg2[%dma_wait3A_52, %mul3A_39] : memref<50x1024xi32, #tpu.memory_space<hbm>> -> memref<50x128xi32, #tpu.memory_space<hbm>>
    tpu.wait_dma2 semaphore(%arg7 : memref<!tpu.dma_semaphore, #tpu.memory_space<semaphore_mem>>) src(%dma_wait3A_53 : memref<50x128xi32, #tpu.memory_space<hbm>>) dst(%arg4 : memref<50x128xi32, #tpu.memory_space<vmem>>)
    %scan3A_54 = arith.constant 0 : i32
    %scan3A_55 = arith.constant 0 : i32
    %scan3A_56 = arith.constant 33 : i32
    %scan3A_57 = arith.addi %scan3A_55, %scan3A_56 : i32
    %scan3A_58 = arith.constant 1 : i32
    scf.for %scan3A_90 = %scan3A_55 to %scan3A_57 step %scan3A_58  : i32 {
      %mul3A_91 = arith.constant 2 : i32
      %mul3A_92 = arith.muli %mul3A_91, %scan3A_90 : i32
      %add3A_93 = arith.constant 0 : i32
      %add3A_94 = arith.addi %mul3A_92, %add3A_93 : i32
      %lt3A_95 = arith.cmpi slt, %add3A_94, %mul3A_37 : i32
      %convert_element_type3A = arith.extui %lt3A_95 : i1 to i32
      %cond3A = arith.constant 0 : i32
      %cond3A_96 = arith.cmpi ne, %convert_element_type3A, %cond3A : i32
      scf.if %cond3A_96 {
        %ge3A = arith.constant 2 : i32
        %ge3A_105 = arith.cmpi sge, %add3A_94, %ge3A : i32
        %convert_element_type3A_106 = arith.extui %ge3A_105 : i1 to i32
        %cond3A_107 = arith.constant 0 : i32
        %cond3A_108 = arith.cmpi ne, %convert_element_type3A_106, %cond3A_107 : i32
        scf.if %cond3A_108 {
          %dma_wait3A_330 = arith.constant 0 : i32
          %dma_wait3A_331 = arith.constant 0 : i32
          %dma_wait3A_332 = arith.constant 0 : i32
          %dma_wait3A_333 = tpu.memref_slice %arg3[%dma_wait3A_330, %dma_wait3A_331, %dma_wait3A_332] : memref<50x1000x1024xf32, #tpu.memory_space<hbm>> -> memref<1x1000x1024xf32, #tpu.memory_space<hbm>>
          %dma_wait3A_334 = tpu.memref_squeeze %dma_wait3A_333 : memref<1x1000x1024xf32, #tpu.memory_space<hbm>> -> memref<1000x1024xf32, #tpu.memory_space<hbm>>
          %dma_wait3A_335 = arith.constant 0 : i32
          %dma_wait3A_336 = arith.constant 0 : i32
          %dma_wait3A_337 = tpu.memref_slice %dma_wait3A_334[%dma_wait3A_335, %dma_wait3A_336] : memref<1000x1024xf32, #tpu.memory_space<hbm>> -> memref<200x128xf32, #tpu.memory_space<hbm>>
          %dma_wait3A_338 = arith.constant 0 : i32
          %dma_wait3A_339 = arith.constant 0 : i32
          %dma_wait3A_340 = tpu.memref_slice %arg3[%dma_wait3A_330, %dma_wait3A_338, %dma_wait3A_339] : memref<50x1000x1024xf32, #tpu.memory_space<hbm>> -> memref<1x1000x1024xf32, #tpu.memory_space<hbm>>
          %dma_wait3A_341 = tpu.memref_squeeze %dma_wait3A_340 : memref<1x1000x1024xf32, #tpu.memory_space<hbm>> -> memref<1000x1024xf32, #tpu.memory_space<hbm>>
          %dma_wait3A_342 = arith.constant 0 : i32
          %dma_wait3A_343 = arith.constant 0 : i32
          %dma_wait3A_344 = tpu.memref_slice %dma_wait3A_341[%dma_wait3A_342, %dma_wait3A_343] : memref<1000x1024xf32, #tpu.memory_space<hbm>> -> memref<200x128xf32, #tpu.memory_space<hbm>>
          tpu.wait_dma2 semaphore(%arg8 : memref<!tpu.dma_semaphore, #tpu.memory_space<semaphore_mem>>) src(%arg5 : memref<200x128xf32, #tpu.memory_space<vmem>>) dst(%dma_wait3A_344 : memref<200x128xf32, #tpu.memory_space<hbm>>)
          %sub3A_345 = arith.constant 2 : i32
          %sub3A_346 = arith.subi %add3A_94, %sub3A_345 : i32
          %jit3A_347 = arith.constant 5 : i32
          %div3A_348 = arith.divsi %sub3A_346, %jit3A_347 : i32
          %sign3A_349 = arith.constant 0 : i32
          %sign3A_350 = arith.cmpi sgt, %sub3A_346, %sign3A_349 : i32
          %sign3A_351 = arith.extui %sign3A_350 : i1 to i32
          %sign3A_352 = arith.constant 0 : i32
          %sign3A_353 = arith.cmpi slt, %sub3A_346, %sign3A_352 : i32
          %sign3A_354 = arith.extui %sign3A_353 : i1 to i32
          %sign3A_355 = arith.subi %sign3A_351, %sign3A_354 : i32
          %sign3A_356 = arith.constant 0 : i32
          %sign3A_357 = arith.cmpi sgt, %jit3A_347, %sign3A_356 : i32
          %sign3A_358 = arith.extui %sign3A_357 : i1 to i32
          %sign3A_359 = arith.constant 0 : i32
          %sign3A_360 = arith.cmpi slt, %jit3A_347, %sign3A_359 : i32
          %sign3A_361 = arith.extui %sign3A_360 : i1 to i32
          %sign3A_362 = arith.subi %sign3A_358, %sign3A_361 : i32
          %ne3A_363 = arith.cmpi ne, %sign3A_355, %sign3A_362 : i32
          %rem3A_364 = arith.remsi %sub3A_346, %jit3A_347 : i32
          %ne3A_365 = arith.constant 0 : i32
          %ne3A_366 = arith.cmpi ne, %rem3A_364, %ne3A_365 : i32
          %and3A_367 = arith.andi %ne3A_363, %ne3A_366 : i1
          %sub3A_368 = arith.constant 1 : i32
          %sub3A_369 = arith.subi %div3A_348, %sub3A_368 : i32
          %select_n3A_370 = arith.select %and3A_367, %sub3A_369, %div3A_348 : i32
          %mul3A_371 = arith.constant 4 : i32
          %mul3A_372 = arith.muli %select_n3A_370, %mul3A_371 : i32
          %add3A_373 = arith.addi %mul3A_372, %select_n3A_30 : i32
          %jit3A_374 = arith.constant 5 : i32
          %eq3A_375 = arith.constant 0 : i32
          %eq3A_376 = arith.cmpi eq, %jit3A_374, %eq3A_375 : i32
          %jit3A_377 = arith.constant 1 : i32
          %select_n3A_378 = arith.select %eq3A_376, %jit3A_377, %jit3A_374 : i32
          %rem3A_379 = arith.remsi %sub3A_346, %select_n3A_378 : i32
          %ne3A_380 = arith.constant 0 : i32
          %ne3A_381 = arith.cmpi ne, %rem3A_379, %ne3A_380 : i32
          %lt3A_382 = arith.constant 0 : i32
          %lt3A_383 = arith.cmpi slt, %rem3A_379, %lt3A_382 : i32
          %lt3A_384 = arith.constant 0 : i32
          %lt3A_385 = arith.cmpi slt, %select_n3A_378, %lt3A_384 : i32
          %ne3A_386 = arith.xori %lt3A_383, %lt3A_385 : i1
          %and3A_387 = arith.andi %ne3A_386, %ne3A_381 : i1
          %add3A_388 = arith.addi %rem3A_379, %select_n3A_378 : i32
          %select_n3A_389 = arith.select %and3A_387, %add3A_388, %rem3A_379 : i32
          %mul3A_390 = arith.constant 200 : i32
          %mul3A_391 = arith.muli %select_n3A_389, %mul3A_390 : i32
          %add3A_392 = arith.constant 0 : i32
          %add3A_393 = vector.broadcast %add3A_392 : i32 to vector<16xi32>
          %add3A_394 = arith.addi %add3A_393, %iota3A : vector<16xi32>
          %get3A_395 = arith.index_cast %add3A_373 : i32 to index
          %get3A_396 = arith.constant 0 : index
          %get3A_397 = tpu.vector_load %arg4[%get3A_395, %get3A_396] {strides = array<i32>} : memref<50x128xi32, #tpu.memory_space<vmem>>, vector<16xi32>,
          %ge3A_398 = vector.broadcast %mul3A_391 : i32 to vector<16xi32>
          %ge3A_399 = arith.cmpi sge, %get3A_397, %ge3A_398 : vector<16xi32>
          %add3A_400 = arith.constant 200 : i32
          %add3A_401 = arith.addi %mul3A_391, %add3A_400 : i32
          %lt3A_402 = vector.broadcast %add3A_401 : i32 to vector<16xi32>
          %lt3A_403 = arith.cmpi slt, %get3A_397, %lt3A_402 : vector<16xi32>
          %and3A_404 = arith.andi %ge3A_399, %lt3A_403 : vector<16xi1>
          %sub3A_405 = vector.broadcast %mul3A_391 : i32 to vector<16xi32>
          %sub3A_406 = arith.subi %get3A_397, %sub3A_405 : vector<16xi32>
          tpu.vector_store_idx %arg5[%sub3A_406, %add3A_394], %broadcast_in_dim3A_43 masked %and3A_404 : memref<200x128xf32, #tpu.memory_space<vmem>>[vector<16xi32>, vector<16xi32>], vector<16xf32>, vector<16xi1>
          %add3A_407 = arith.constant 16 : i32
          %add3A_408 = vector.broadcast %add3A_407 : i32 to vector<16xi32>
          %add3A_409 = arith.addi %add3A_408, %iota3A : vector<16xi32>
          %get3A_410 = arith.index_cast %add3A_373 : i32 to index
          %get3A_411 = arith.constant 16 : index
          %get3A_412 = tpu.vector_load %arg4[%get3A_410, %get3A_411] {strides = array<i32>} : memref<50x128xi32, #tpu.memory_space<vmem>>, vector<16xi32>,
          %ge3A_413 = vector.broadcast %mul3A_391 : i32 to vector<16xi32>
          %ge3A_414 = arith.cmpi sge, %get3A_412, %ge3A_413 : vector<16xi32>
          %add3A_415 = arith.constant 200 : i32
          %add3A_416 = arith.addi %mul3A_391, %add3A_415 : i32
          %lt3A_417 = vector.broadcast %add3A_416 : i32 to vector<16xi32>
          %lt3A_418 = arith.cmpi slt, %get3A_412, %lt3A_417 : vector<16xi32>
          %and3A_419 = arith.andi %ge3A_414, %lt3A_418 : vector<16xi1>
          %sub3A_420 = vector.broadcast %mul3A_391 : i32 to vector<16xi32>
          %sub3A_421 = arith.subi %get3A_412, %sub3A_420 : vector<16xi32>
          tpu.vector_store_idx %arg5[%sub3A_421, %add3A_409], %broadcast_in_dim3A_43 masked %and3A_419 : memref<200x128xf32, #tpu.memory_space<vmem>>[vector<16xi32>, vector<16xi32>], vector<16xf32>, vector<16xi1>
          %add3A_422 = arith.constant 32 : i32
          %add3A_423 = vector.broadcast %add3A_422 : i32 to vector<16xi32>
          %add3A_424 = arith.addi %add3A_423, %iota3A : vector<16xi32>
          %get3A_425 = arith.index_cast %add3A_373 : i32 to index
          %get3A_426 = arith.constant 32 : index
          %get3A_427 = tpu.vector_load %arg4[%get3A_425, %get3A_426] {strides = array<i32>} : memref<50x128xi32, #tpu.memory_space<vmem>>, vector<16xi32>,
          %ge3A_428 = vector.broadcast %mul3A_391 : i32 to vector<16xi32>
          %ge3A_429 = arith.cmpi sge, %get3A_427, %ge3A_428 : vector<16xi32>
          %add3A_430 = arith.constant 200 : i32
          %add3A_431 = arith.addi %mul3A_391, %add3A_430 : i32
          %lt3A_432 = vector.broadcast %add3A_431 : i32 to vector<16xi32>
          %lt3A_433 = arith.cmpi slt, %get3A_427, %lt3A_432 : vector<16xi32>
          %and3A_434 = arith.andi %ge3A_429, %lt3A_433 : vector<16xi1>
          %sub3A_435 = vector.broadcast %mul3A_391 : i32 to vector<16xi32>
          %sub3A_436 = arith.subi %get3A_427, %sub3A_435 : vector<16xi32>
          tpu.vector_store_idx %arg5[%sub3A_436, %add3A_424], %broadcast_in_dim3A_43 masked %and3A_434 : memref<200x128xf32, #tpu.memory_space<vmem>>[vector<16xi32>, vector<16xi32>], vector<16xf32>, vector<16xi1>
          %add3A_437 = arith.constant 48 : i32
          %add3A_438 = vector.broadcast %add3A_437 : i32 to vector<16xi32>
          %add3A_439 = arith.addi %add3A_438, %iota3A : vector<16xi32>
          %get3A_440 = arith.index_cast %add3A_373 : i32 to index
          %get3A_441 = arith.constant 48 : index
          %get3A_442 = tpu.vector_load %arg4[%get3A_440, %get3A_441] {strides = array<i32>} : memref<50x128xi32, #tpu.memory_space<vmem>>, vector<16xi32>,
          %ge3A_443 = vector.broadcast %mul3A_391 : i32 to vector<16xi32>
          %ge3A_444 = arith.cmpi sge, %get3A_442, %ge3A_443 : vector<16xi32>
          %add3A_445 = arith.constant 200 : i32
          %add3A_446 = arith.addi %mul3A_391, %add3A_445 : i32
          %lt3A_447 = vector.broadcast %add3A_446 : i32 to vector<16xi32>
          %lt3A_448 = arith.cmpi slt, %get3A_442, %lt3A_447 : vector<16xi32>
          %and3A_449 = arith.andi %ge3A_444, %lt3A_448 : vector<16xi1>
          %sub3A_450 = vector.broadcast %mul3A_391 : i32 to vector<16xi32>
          %sub3A_451 = arith.subi %get3A_442, %sub3A_450 : vector<16xi32>
          tpu.vector_store_idx %arg5[%sub3A_451, %add3A_439], %broadcast_in_dim3A_43 masked %and3A_449 : memref<200x128xf32, #tpu.memory_space<vmem>>[vector<16xi32>, vector<16xi32>], vector<16xf32>, vector<16xi1>
          %add3A_452 = arith.constant 64 : i32
          %add3A_453 = vector.broadcast %add3A_452 : i32 to vector<16xi32>
          %add3A_454 = arith.addi %add3A_453, %iota3A : vector<16xi32>
          %get3A_455 = arith.index_cast %add3A_373 : i32 to index
          %get3A_456 = arith.constant 64 : index
          %get3A_457 = tpu.vector_load %arg4[%get3A_455, %get3A_456] {strides = array<i32>} : memref<50x128xi32, #tpu.memory_space<vmem>>, vector<16xi32>,
          %ge3A_458 = vector.broadcast %mul3A_391 : i32 to vector<16xi32>
          %ge3A_459 = arith.cmpi sge, %get3A_457, %ge3A_458 : vector<16xi32>
          %add3A_460 = arith.constant 200 : i32
          %add3A_461 = arith.addi %mul3A_391, %add3A_460 : i32
          %lt3A_462 = vector.broadcast %add3A_461 : i32 to vector<16xi32>
          %lt3A_463 = arith.cmpi slt, %get3A_457, %lt3A_462 : vector<16xi32>
          %and3A_464 = arith.andi %ge3A_459, %lt3A_463 : vector<16xi1>
          %sub3A_465 = vector.broadcast %mul3A_391 : i32 to vector<16xi32>
          %sub3A_466 = arith.subi %get3A_457, %sub3A_465 : vector<16xi32>
          tpu.vector_store_idx %arg5[%sub3A_466, %add3A_454], %broadcast_in_dim3A_43 masked %and3A_464 : memref<200x128xf32, #tpu.memory_space<vmem>>[vector<16xi32>, vector<16xi32>], vector<16xf32>, vector<16xi1>
          %add3A_467 = arith.constant 80 : i32
          %add3A_468 = vector.broadcast %add3A_467 : i32 to vector<16xi32>
          %add3A_469 = arith.addi %add3A_468, %iota3A : vector<16xi32>
          %get3A_470 = arith.index_cast %add3A_373 : i32 to index
          %get3A_471 = arith.constant 80 : index
          %get3A_472 = tpu.vector_load %arg4[%get3A_470, %get3A_471] {strides = array<i32>} : memref<50x128xi32, #tpu.memory_space<vmem>>, vector<16xi32>,
          %ge3A_473 = vector.broadcast %mul3A_391 : i32 to vector<16xi32>
          %ge3A_474 = arith.cmpi sge, %get3A_472, %ge3A_473 : vector<16xi32>
          %add3A_475 = arith.constant 200 : i32
          %add3A_476 = arith.addi %mul3A_391, %add3A_475 : i32
          %lt3A_477 = vector.broadcast %add3A_476 : i32 to vector<16xi32>
          %lt3A_478 = arith.cmpi slt, %get3A_472, %lt3A_477 : vector<16xi32>
          %and3A_479 = arith.andi %ge3A_474, %lt3A_478 : vector<16xi1>
          %sub3A_480 = vector.broadcast %mul3A_391 : i32 to vector<16xi32>
          %sub3A_481 = arith.subi %get3A_472, %sub3A_480 : vector<16xi32>
          tpu.vector_store_idx %arg5[%sub3A_481, %add3A_469], %broadcast_in_dim3A_43 masked %and3A_479 : memref<200x128xf32, #tpu.memory_space<vmem>>[vector<16xi32>, vector<16xi32>], vector<16xf32>, vector<16xi1>
          %add3A_482 = arith.constant 96 : i32
          %add3A_483 = vector.broadcast %add3A_482 : i32 to vector<16xi32>
          %add3A_484 = arith.addi %add3A_483, %iota3A : vector<16xi32>
          %get3A_485 = arith.index_cast %add3A_373 : i32 to index
          %get3A_486 = arith.constant 96 : index
          %get3A_487 = tpu.vector_load %arg4[%get3A_485, %get3A_486] {strides = array<i32>} : memref<50x128xi32, #tpu.memory_space<vmem>>, vector<16xi32>,
          %ge3A_488 = vector.broadcast %mul3A_391 : i32 to vector<16xi32>
          %ge3A_489 = arith.cmpi sge, %get3A_487, %ge3A_488 : vector<16xi32>
          %add3A_490 = arith.constant 200 : i32
          %add3A_491 = arith.addi %mul3A_391, %add3A_490 : i32
          %lt3A_492 = vector.broadcast %add3A_491 : i32 to vector<16xi32>
          %lt3A_493 = arith.cmpi slt, %get3A_487, %lt3A_492 : vector<16xi32>
          %and3A_494 = arith.andi %ge3A_489, %lt3A_493 : vector<16xi1>
          %sub3A_495 = vector.broadcast %mul3A_391 : i32 to vector<16xi32>
          %sub3A_496 = arith.subi %get3A_487, %sub3A_495 : vector<16xi32>
          tpu.vector_store_idx %arg5[%sub3A_496, %add3A_484], %broadcast_in_dim3A_43 masked %and3A_494 : memref<200x128xf32, #tpu.memory_space<vmem>>[vector<16xi32>, vector<16xi32>], vector<16xf32>, vector<16xi1>
          %add3A_497 = arith.constant 112 : i32
          %add3A_498 = vector.broadcast %add3A_497 : i32 to vector<16xi32>
          %add3A_499 = arith.addi %add3A_498, %iota3A : vector<16xi32>
          %get3A_500 = arith.index_cast %add3A_373 : i32 to index
          %get3A_501 = arith.constant 112 : index
          %get3A_502 = tpu.vector_load %arg4[%get3A_500, %get3A_501] {strides = array<i32>} : memref<50x128xi32, #tpu.memory_space<vmem>>, vector<16xi32>,
          %ge3A_503 = vector.broadcast %mul3A_391 : i32 to vector<16xi32>
          %ge3A_504 = arith.cmpi sge, %get3A_502, %ge3A_503 : vector<16xi32>
          %add3A_505 = arith.constant 200 : i32
          %add3A_506 = arith.addi %mul3A_391, %add3A_505 : i32
          %lt3A_507 = vector.broadcast %add3A_506 : i32 to vector<16xi32>
          %lt3A_508 = arith.cmpi slt, %get3A_502, %lt3A_507 : vector<16xi32>
          %and3A_509 = arith.andi %ge3A_504, %lt3A_508 : vector<16xi1>
          %sub3A_510 = vector.broadcast %mul3A_391 : i32 to vector<16xi32>
          %sub3A_511 = arith.subi %get3A_502, %sub3A_510 : vector<16xi32>
          tpu.vector_store_idx %arg5[%sub3A_511, %add3A_499], %broadcast_in_dim3A_43 masked %and3A_509 : memref<200x128xf32, #tpu.memory_space<vmem>>[vector<16xi32>, vector<16xi32>], vector<16xf32>, vector<16xi1>
        } else {
        }
        %jit3A_109 = arith.constant 5 : i32
        %div3A_110 = arith.divsi %add3A_94, %jit3A_109 : i32
        %sign3A_111 = arith.constant 0 : i32
        %sign3A_112 = arith.cmpi sgt, %add3A_94, %sign3A_111 : i32
        %sign3A_113 = arith.extui %sign3A_112 : i1 to i32
        %sign3A_114 = arith.constant 0 : i32
        %sign3A_115 = arith.cmpi slt, %add3A_94, %sign3A_114 : i32
        %sign3A_116 = arith.extui %sign3A_115 : i1 to i32
        %sign3A_117 = arith.subi %sign3A_113, %sign3A_116 : i32
        %sign3A_118 = arith.constant 0 : i32
        %sign3A_119 = arith.cmpi sgt, %jit3A_109, %sign3A_118 : i32
        %sign3A_120 = arith.extui %sign3A_119 : i1 to i32
        %sign3A_121 = arith.constant 0 : i32
        %sign3A_122 = arith.cmpi slt, %jit3A_109, %sign3A_121 : i32
        %sign3A_123 = arith.extui %sign3A_122 : i1 to i32
        %sign3A_124 = arith.subi %sign3A_120, %sign3A_123 : i32
        %ne3A_125 = arith.cmpi ne, %sign3A_117, %sign3A_124 : i32
        %rem3A_126 = arith.remsi %add3A_94, %jit3A_109 : i32
        %ne3A_127 = arith.constant 0 : i32
        %ne3A_128 = arith.cmpi ne, %rem3A_126, %ne3A_127 : i32
        %and3A_129 = arith.andi %ne3A_125, %ne3A_128 : i1
        %sub3A_130 = arith.constant 1 : i32
        %sub3A_131 = arith.subi %div3A_110, %sub3A_130 : i32
        %select_n3A_132 = arith.select %and3A_129, %sub3A_131, %div3A_110 : i32
        %mul3A_133 = arith.constant 4 : i32
        %mul3A_134 = arith.muli %select_n3A_132, %mul3A_133 : i32
        %add3A_135 = arith.addi %mul3A_134, %select_n3A_30 : i32
        %jit3A_136 = arith.constant 5 : i32
        %eq3A_137 = arith.constant 0 : i32
        %eq3A_138 = arith.cmpi eq, %jit3A_136, %eq3A_137 : i32
        %jit3A_139 = arith.constant 1 : i32
        %select_n3A_140 = arith.select %eq3A_138, %jit3A_139, %jit3A_136 : i32
        %rem3A_141 = arith.remsi %add3A_94, %select_n3A_140 : i32
        %ne3A_142 = arith.constant 0 : i32
        %ne3A_143 = arith.cmpi ne, %rem3A_141, %ne3A_142 : i32
        %lt3A_144 = arith.constant 0 : i32
        %lt3A_145 = arith.cmpi slt, %rem3A_141, %lt3A_144 : i32
        %lt3A_146 = arith.constant 0 : i32
        %lt3A_147 = arith.cmpi slt, %select_n3A_140, %lt3A_146 : i32
        %ne3A_148 = arith.xori %lt3A_145, %lt3A_147 : i1
        %and3A_149 = arith.andi %ne3A_148, %ne3A_143 : i1
        %add3A_150 = arith.addi %rem3A_141, %select_n3A_140 : i32
        %select_n3A_151 = arith.select %and3A_149, %add3A_150, %rem3A_141 : i32
        %mul3A_152 = arith.constant 200 : i32
        %mul3A_153 = arith.muli %select_n3A_151, %mul3A_152 : i32
        %add3A_154 = arith.constant 0 : i32
        %add3A_155 = vector.broadcast %add3A_154 : i32 to vector<16xi32>
        %add3A_156 = arith.addi %add3A_155, %iota3A : vector<16xi32>
        %get3A = arith.index_cast %add3A_135 : i32 to index
        %get3A_157 = arith.constant 0 : index
        %get3A_158 = tpu.vector_load %arg4[%get3A, %get3A_157] {strides = array<i32>} : memref<50x128xi32, #tpu.memory_space<vmem>>, vector<16xi32>,
        %ge3A_159 = vector.broadcast %mul3A_153 : i32 to vector<16xi32>
        %ge3A_160 = arith.cmpi sge, %get3A_158, %ge3A_159 : vector<16xi32>
        %add3A_161 = arith.constant 200 : i32
        %add3A_162 = arith.addi %mul3A_153, %add3A_161 : i32
        %lt3A_163 = vector.broadcast %add3A_162 : i32 to vector<16xi32>
        %lt3A_164 = arith.cmpi slt, %get3A_158, %lt3A_163 : vector<16xi32>
        %and3A_165 = arith.andi %ge3A_160, %lt3A_164 : vector<16xi1>
        %sub3A_166 = vector.broadcast %mul3A_153 : i32 to vector<16xi32>
        %sub3A_167 = arith.subi %get3A_158, %sub3A_166 : vector<16xi32>
        tpu.vector_store_idx %arg5[%sub3A_167, %add3A_156], %broadcast_in_dim3A_45 masked %and3A_165 : memref<200x128xf32, #tpu.memory_space<vmem>>[vector<16xi32>, vector<16xi32>], vector<16xf32>, vector<16xi1>
        %add3A_168 = arith.constant 16 : i32
        %add3A_169 = vector.broadcast %add3A_168 : i32 to vector<16xi32>
        %add3A_170 = arith.addi %add3A_169, %iota3A : vector<16xi32>
        %get3A_171 = arith.index_cast %add3A_135 : i32 to index
        %get3A_172 = arith.constant 16 : index
        %get3A_173 = tpu.vector_load %arg4[%get3A_171, %get3A_172] {strides = array<i32>} : memref<50x128xi32, #tpu.memory_space<vmem>>, vector<16xi32>,
        %ge3A_174 = vector.broadcast %mul3A_153 : i32 to vector<16xi32>
        %ge3A_175 = arith.cmpi sge, %get3A_173, %ge3A_174 : vector<16xi32>
        %add3A_176 = arith.constant 200 : i32
        %add3A_177 = arith.addi %mul3A_153, %add3A_176 : i32
        %lt3A_178 = vector.broadcast %add3A_177 : i32 to vector<16xi32>
        %lt3A_179 = arith.cmpi slt, %get3A_173, %lt3A_178 : vector<16xi32>
        %and3A_180 = arith.andi %ge3A_175, %lt3A_179 : vector<16xi1>
        %sub3A_181 = vector.broadcast %mul3A_153 : i32 to vector<16xi32>
        %sub3A_182 = arith.subi %get3A_173, %sub3A_181 : vector<16xi32>
        tpu.vector_store_idx %arg5[%sub3A_182, %add3A_170], %broadcast_in_dim3A_45 masked %and3A_180 : memref<200x128xf32, #tpu.memory_space<vmem>>[vector<16xi32>, vector<16xi32>], vector<16xf32>, vector<16xi1>
        %add3A_183 = arith.constant 32 : i32
        %add3A_184 = vector.broadcast %add3A_183 : i32 to vector<16xi32>
        %add3A_185 = arith.addi %add3A_184, %iota3A : vector<16xi32>
        %get3A_186 = arith.index_cast %add3A_135 : i32 to index
        %get3A_187 = arith.constant 32 : index
        %get3A_188 = tpu.vector_load %arg4[%get3A_186, %get3A_187] {strides = array<i32>} : memref<50x128xi32, #tpu.memory_space<vmem>>, vector<16xi32>,
        %ge3A_189 = vector.broadcast %mul3A_153 : i32 to vector<16xi32>
        %ge3A_190 = arith.cmpi sge, %get3A_188, %ge3A_189 : vector<16xi32>
        %add3A_191 = arith.constant 200 : i32
        %add3A_192 = arith.addi %mul3A_153, %add3A_191 : i32
        %lt3A_193 = vector.broadcast %add3A_192 : i32 to vector<16xi32>
        %lt3A_194 = arith.cmpi slt, %get3A_188, %lt3A_193 : vector<16xi32>
        %and3A_195 = arith.andi %ge3A_190, %lt3A_194 : vector<16xi1>
        %sub3A_196 = vector.broadcast %mul3A_153 : i32 to vector<16xi32>
        %sub3A_197 = arith.subi %get3A_188, %sub3A_196 : vector<16xi32>
        tpu.vector_store_idx %arg5[%sub3A_197, %add3A_185], %broadcast_in_dim3A_45 masked %and3A_195 : memref<200x128xf32, #tpu.memory_space<vmem>>[vector<16xi32>, vector<16xi32>], vector<16xf32>, vector<16xi1>
        %add3A_198 = arith.constant 48 : i32
        %add3A_199 = vector.broadcast %add3A_198 : i32 to vector<16xi32>
        %add3A_200 = arith.addi %add3A_199, %iota3A : vector<16xi32>
        %get3A_201 = arith.index_cast %add3A_135 : i32 to index
        %get3A_202 = arith.constant 48 : index
        %get3A_203 = tpu.vector_load %arg4[%get3A_201, %get3A_202] {strides = array<i32>} : memref<50x128xi32, #tpu.memory_space<vmem>>, vector<16xi32>,
        %ge3A_204 = vector.broadcast %mul3A_153 : i32 to vector<16xi32>
        %ge3A_205 = arith.cmpi sge, %get3A_203, %ge3A_204 : vector<16xi32>
        %add3A_206 = arith.constant 200 : i32
        %add3A_207 = arith.addi %mul3A_153, %add3A_206 : i32
        %lt3A_208 = vector.broadcast %add3A_207 : i32 to vector<16xi32>
        %lt3A_209 = arith.cmpi slt, %get3A_203, %lt3A_208 : vector<16xi32>
        %and3A_210 = arith.andi %ge3A_205, %lt3A_209 : vector<16xi1>
        %sub3A_211 = vector.broadcast %mul3A_153 : i32 to vector<16xi32>
        %sub3A_212 = arith.subi %get3A_203, %sub3A_211 : vector<16xi32>
        tpu.vector_store_idx %arg5[%sub3A_212, %add3A_200], %broadcast_in_dim3A_45 masked %and3A_210 : memref<200x128xf32, #tpu.memory_space<vmem>>[vector<16xi32>, vector<16xi32>], vector<16xf32>, vector<16xi1>
        %add3A_213 = arith.constant 64 : i32
        %add3A_214 = vector.broadcast %add3A_213 : i32 to vector<16xi32>
        %add3A_215 = arith.addi %add3A_214, %iota3A : vector<16xi32>
        %get3A_216 = arith.index_cast %add3A_135 : i32 to index
        %get3A_217 = arith.constant 64 : index
        %get3A_218 = tpu.vector_load %arg4[%get3A_216, %get3A_217] {strides = array<i32>} : memref<50x128xi32, #tpu.memory_space<vmem>>, vector<16xi32>,
        %ge3A_219 = vector.broadcast %mul3A_153 : i32 to vector<16xi32>
        %ge3A_220 = arith.cmpi sge, %get3A_218, %ge3A_219 : vector<16xi32>
        %add3A_221 = arith.constant 200 : i32
        %add3A_222 = arith.addi %mul3A_153, %add3A_221 : i32
        %lt3A_223 = vector.broadcast %add3A_222 : i32 to vector<16xi32>
        %lt3A_224 = arith.cmpi slt, %get3A_218, %lt3A_223 : vector<16xi32>
        %and3A_225 = arith.andi %ge3A_220, %lt3A_224 : vector<16xi1>
        %sub3A_226 = vector.broadcast %mul3A_153 : i32 to vector<16xi32>
        %sub3A_227 = arith.subi %get3A_218, %sub3A_226 : vector<16xi32>
        tpu.vector_store_idx %arg5[%sub3A_227, %add3A_215], %broadcast_in_dim3A_45 masked %and3A_225 : memref<200x128xf32, #tpu.memory_space<vmem>>[vector<16xi32>, vector<16xi32>], vector<16xf32>, vector<16xi1>
        %add3A_228 = arith.constant 80 : i32
        %add3A_229 = vector.broadcast %add3A_228 : i32 to vector<16xi32>
        %add3A_230 = arith.addi %add3A_229, %iota3A : vector<16xi32>
        %get3A_231 = arith.index_cast %add3A_135 : i32 to index
        %get3A_232 = arith.constant 80 : index
        %get3A_233 = tpu.vector_load %arg4[%get3A_231, %get3A_232] {strides = array<i32>} : memref<50x128xi32, #tpu.memory_space<vmem>>, vector<16xi32>,
        %ge3A_234 = vector.broadcast %mul3A_153 : i32 to vector<16xi32>
        %ge3A_235 = arith.cmpi sge, %get3A_233, %ge3A_234 : vector<16xi32>
        %add3A_236 = arith.constant 200 : i32
        %add3A_237 = arith.addi %mul3A_153, %add3A_236 : i32
        %lt3A_238 = vector.broadcast %add3A_237 : i32 to vector<16xi32>
        %lt3A_239 = arith.cmpi slt, %get3A_233, %lt3A_238 : vector<16xi32>
        %and3A_240 = arith.andi %ge3A_235, %lt3A_239 : vector<16xi1>
        %sub3A_241 = vector.broadcast %mul3A_153 : i32 to vector<16xi32>
        %sub3A_242 = arith.subi %get3A_233, %sub3A_241 : vector<16xi32>
        tpu.vector_store_idx %arg5[%sub3A_242, %add3A_230], %broadcast_in_dim3A_45 masked %and3A_240 : memref<200x128xf32, #tpu.memory_space<vmem>>[vector<16xi32>, vector<16xi32>], vector<16xf32>, vector<16xi1>
        %add3A_243 = arith.constant 96 : i32
        %add3A_244 = vector.broadcast %add3A_243 : i32 to vector<16xi32>
        %add3A_245 = arith.addi %add3A_244, %iota3A : vector<16xi32>
        %get3A_246 = arith.index_cast %add3A_135 : i32 to index
        %get3A_247 = arith.constant 96 : index
        %get3A_248 = tpu.vector_load %arg4[%get3A_246, %get3A_247] {strides = array<i32>} : memref<50x128xi32, #tpu.memory_space<vmem>>, vector<16xi32>,
        %ge3A_249 = vector.broadcast %mul3A_153 : i32 to vector<16xi32>
        %ge3A_250 = arith.cmpi sge, %get3A_248, %ge3A_249 : vector<16xi32>
        %add3A_251 = arith.constant 200 : i32
        %add3A_252 = arith.addi %mul3A_153, %add3A_251 : i32
        %lt3A_253 = vector.broadcast %add3A_252 : i32 to vector<16xi32>
        %lt3A_254 = arith.cmpi slt, %get3A_248, %lt3A_253 : vector<16xi32>
        %and3A_255 = arith.andi %ge3A_250, %lt3A_254 : vector<16xi1>
        %sub3A_256 = vector.broadcast %mul3A_153 : i32 to vector<16xi32>
        %sub3A_257 = arith.subi %get3A_248, %sub3A_256 : vector<16xi32>
        tpu.vector_store_idx %arg5[%sub3A_257, %add3A_245], %broadcast_in_dim3A_45 masked %and3A_255 : memref<200x128xf32, #tpu.memory_space<vmem>>[vector<16xi32>, vector<16xi32>], vector<16xf32>, vector<16xi1>
        %add3A_258 = arith.constant 112 : i32
        %add3A_259 = vector.broadcast %add3A_258 : i32 to vector<16xi32>
        %add3A_260 = arith.addi %add3A_259, %iota3A : vector<16xi32>
        %get3A_261 = arith.index_cast %add3A_135 : i32 to index
        %get3A_262 = arith.constant 112 : index
        %get3A_263 = tpu.vector_load %arg4[%get3A_261, %get3A_262] {strides = array<i32>} : memref<50x128xi32, #tpu.memory_space<vmem>>, vector<16xi32>,
        %ge3A_264 = vector.broadcast %mul3A_153 : i32 to vector<16xi32>
        %ge3A_265 = arith.cmpi sge, %get3A_263, %ge3A_264 : vector<16xi32>
        %add3A_266 = arith.constant 200 : i32
        %add3A_267 = arith.addi %mul3A_153, %add3A_266 : i32
        %lt3A_268 = vector.broadcast %add3A_267 : i32 to vector<16xi32>
        %lt3A_269 = arith.cmpi slt, %get3A_263, %lt3A_268 : vector<16xi32>
        %and3A_270 = arith.andi %ge3A_265, %lt3A_269 : vector<16xi1>
        %sub3A_271 = vector.broadcast %mul3A_153 : i32 to vector<16xi32>
        %sub3A_272 = arith.subi %get3A_263, %sub3A_271 : vector<16xi32>
        tpu.vector_store_idx %arg5[%sub3A_272, %add3A_260], %broadcast_in_dim3A_45 masked %and3A_270 : memref<200x128xf32, #tpu.memory_space<vmem>>[vector<16xi32>, vector<16xi32>], vector<16xf32>, vector<16xi1>
        %jit3A_273 = arith.constant 5 : i32
        %div3A_274 = arith.divsi %add3A_94, %jit3A_273 : i32
        %sign3A_275 = arith.constant 0 : i32
        %sign3A_276 = arith.cmpi sgt, %add3A_94, %sign3A_275 : i32
        %sign3A_277 = arith.extui %sign3A_276 : i1 to i32
        %sign3A_278 = arith.constant 0 : i32
        %sign3A_279 = arith.cmpi slt, %add3A_94, %sign3A_278 : i32
        %sign3A_280 = arith.extui %sign3A_279 : i1 to i32
        %sign3A_281 = arith.subi %sign3A_277, %sign3A_280 : i32
        %sign3A_282 = arith.constant 0 : i32
        %sign3A_283 = arith.cmpi sgt, %jit3A_273, %sign3A_282 : i32
        %sign3A_284 = arith.extui %sign3A_283 : i1 to i32
        %sign3A_285 = arith.constant 0 : i32
        %sign3A_286 = arith.cmpi slt, %jit3A_273, %sign3A_285 : i32
        %sign3A_287 = arith.extui %sign3A_286 : i1 to i32
        %sign3A_288 = arith.subi %sign3A_284, %sign3A_287 : i32
        %ne3A_289 = arith.cmpi ne, %sign3A_281, %sign3A_288 : i32
        %rem3A_290 = arith.remsi %add3A_94, %jit3A_273 : i32
        %ne3A_291 = arith.constant 0 : i32
        %ne3A_292 = arith.cmpi ne, %rem3A_290, %ne3A_291 : i32
        %and3A_293 = arith.andi %ne3A_289, %ne3A_292 : i1
        %sub3A_294 = arith.constant 1 : i32
        %sub3A_295 = arith.subi %div3A_274, %sub3A_294 : i32
        %select_n3A_296 = arith.select %and3A_293, %sub3A_295, %div3A_274 : i32
        %mul3A_297 = arith.constant 4 : i32
        %mul3A_298 = arith.muli %select_n3A_296, %mul3A_297 : i32
        %add3A_299 = arith.addi %mul3A_298, %select_n3A_30 : i32
        %jit3A_300 = arith.constant 5 : i32
        %eq3A_301 = arith.constant 0 : i32
        %eq3A_302 = arith.cmpi eq, %jit3A_300, %eq3A_301 : i32
        %jit3A_303 = arith.constant 1 : i32
        %select_n3A_304 = arith.select %eq3A_302, %jit3A_303, %jit3A_300 : i32
        %rem3A_305 = arith.remsi %add3A_94, %select_n3A_304 : i32
        %ne3A_306 = arith.constant 0 : i32
        %ne3A_307 = arith.cmpi ne, %rem3A_305, %ne3A_306 : i32
        %lt3A_308 = arith.constant 0 : i32
        %lt3A_309 = arith.cmpi slt, %rem3A_305, %lt3A_308 : i32
        %lt3A_310 = arith.constant 0 : i32
        %lt3A_311 = arith.cmpi slt, %select_n3A_304, %lt3A_310 : i32
        %ne3A_312 = arith.xori %lt3A_309, %lt3A_311 : i1
        %and3A_313 = arith.andi %ne3A_312, %ne3A_307 : i1
        %add3A_314 = arith.addi %rem3A_305, %select_n3A_304 : i32
        %select_n3A_315 = arith.select %and3A_313, %add3A_314, %rem3A_305 : i32
        %mul3A_316 = arith.constant 200 : i32
        %mul3A_317 = arith.muli %select_n3A_315, %mul3A_316 : i32
        %mul3A_318 = arith.constant 128 : i32
        %mul3A_319 = arith.muli %select_n3A_9, %mul3A_318 : i32
        %dma_start3A_320 = arith.constant 0 : i32
        %dma_start3A_321 = arith.constant 0 : i32
        %dma_start3A_322 = tpu.memref_slice %arg3[%add3A_299, %dma_start3A_320, %dma_start3A_321] : memref<50x1000x1024xf32, #tpu.memory_space<hbm>> -> memref<1x1000x1024xf32, #tpu.memory_space<hbm>>
        %dma_start3A_323 = tpu.memref_squeeze %dma_start3A_322 : memref<1x1000x1024xf32, #tpu.memory_space<hbm>> -> memref<1000x1024xf32, #tpu.memory_space<hbm>>
        %dma_start3A_324 = tpu.memref_slice %dma_start3A_323[%mul3A_317, %mul3A_319] : memref<1000x1024xf32, #tpu.memory_space<hbm>> -> memref<200x128xf32, #tpu.memory_space<hbm>>
        %dma_start3A_325 = arith.constant 0 : i32
        %dma_start3A_326 = arith.constant 0 : i32
        %dma_start3A_327 = tpu.memref_slice %arg3[%add3A_299, %dma_start3A_325, %dma_start3A_326] : memref<50x1000x1024xf32, #tpu.memory_space<hbm>> -> memref<1x1000x1024xf32, #tpu.memory_space<hbm>>
        %dma_start3A_328 = tpu.memref_squeeze %dma_start3A_327 : memref<1x1000x1024xf32, #tpu.memory_space<hbm>> -> memref<1000x1024xf32, #tpu.memory_space<hbm>>
        %dma_start3A_329 = tpu.memref_slice %dma_start3A_328[%mul3A_317, %mul3A_319] : memref<1000x1024xf32, #tpu.memory_space<hbm>> -> memref<200x128xf32, #tpu.memory_space<hbm>>
        tpu.enqueue_dma source(%arg5 : memref<200x128xf32, #tpu.memory_space<vmem>>) target(%dma_start3A_329 : memref<200x128xf32, #tpu.memory_space<hbm>>) target_semaphore(%arg8 : memref<!tpu.dma_semaphore, #tpu.memory_space<semaphore_mem>>)
      } else {
      }
      %mul3A_97 = arith.constant 2 : i32
      %mul3A_98 = arith.muli %mul3A_97, %scan3A_90 : i32
      %add3A_99 = arith.constant 1 : i32
      %add3A_100 = arith.addi %mul3A_98, %add3A_99 : i32
      %lt3A_101 = arith.cmpi slt, %add3A_100, %mul3A_37 : i32
      %convert_element_type3A_102 = arith.extui %lt3A_101 : i1 to i32
      %cond3A_103 = arith.constant 0 : i32
      %cond3A_104 = arith.cmpi ne, %convert_element_type3A_102, %cond3A_103 : i32
      scf.if %cond3A_104 {
        %ge3A = arith.constant 2 : i32
        %ge3A_105 = arith.cmpi sge, %add3A_100, %ge3A : i32
        %convert_element_type3A_106 = arith.extui %ge3A_105 : i1 to i32
        %cond3A_107 = arith.constant 0 : i32
        %cond3A_108 = arith.cmpi ne, %convert_element_type3A_106, %cond3A_107 : i32
        scf.if %cond3A_108 {
          %dma_wait3A_330 = arith.constant 0 : i32
          %dma_wait3A_331 = arith.constant 0 : i32
          %dma_wait3A_332 = arith.constant 0 : i32
          %dma_wait3A_333 = tpu.memref_slice %arg3[%dma_wait3A_330, %dma_wait3A_331, %dma_wait3A_332] : memref<50x1000x1024xf32, #tpu.memory_space<hbm>> -> memref<1x1000x1024xf32, #tpu.memory_space<hbm>>
          %dma_wait3A_334 = tpu.memref_squeeze %dma_wait3A_333 : memref<1x1000x1024xf32, #tpu.memory_space<hbm>> -> memref<1000x1024xf32, #tpu.memory_space<hbm>>
          %dma_wait3A_335 = arith.constant 0 : i32
          %dma_wait3A_336 = arith.constant 0 : i32
          %dma_wait3A_337 = tpu.memref_slice %dma_wait3A_334[%dma_wait3A_335, %dma_wait3A_336] : memref<1000x1024xf32, #tpu.memory_space<hbm>> -> memref<200x128xf32, #tpu.memory_space<hbm>>
          %dma_wait3A_338 = arith.constant 0 : i32
          %dma_wait3A_339 = arith.constant 0 : i32
          %dma_wait3A_340 = tpu.memref_slice %arg3[%dma_wait3A_330, %dma_wait3A_338, %dma_wait3A_339] : memref<50x1000x1024xf32, #tpu.memory_space<hbm>> -> memref<1x1000x1024xf32, #tpu.memory_space<hbm>>
          %dma_wait3A_341 = tpu.memref_squeeze %dma_wait3A_340 : memref<1x1000x1024xf32, #tpu.memory_space<hbm>> -> memref<1000x1024xf32, #tpu.memory_space<hbm>>
          %dma_wait3A_342 = arith.constant 0 : i32
          %dma_wait3A_343 = arith.constant 0 : i32
          %dma_wait3A_344 = tpu.memref_slice %dma_wait3A_341[%dma_wait3A_342, %dma_wait3A_343] : memref<1000x1024xf32, #tpu.memory_space<hbm>> -> memref<200x128xf32, #tpu.memory_space<hbm>>
          tpu.wait_dma2 semaphore(%arg9 : memref<!tpu.dma_semaphore, #tpu.memory_space<semaphore_mem>>) src(%arg6 : memref<200x128xf32, #tpu.memory_space<vmem>>) dst(%dma_wait3A_344 : memref<200x128xf32, #tpu.memory_space<hbm>>)
          %sub3A_345 = arith.constant 2 : i32
          %sub3A_346 = arith.subi %add3A_100, %sub3A_345 : i32
          %jit3A_347 = arith.constant 5 : i32
          %div3A_348 = arith.divsi %sub3A_346, %jit3A_347 : i32
          %sign3A_349 = arith.constant 0 : i32
          %sign3A_350 = arith.cmpi sgt, %sub3A_346, %sign3A_349 : i32
          %sign3A_351 = arith.extui %sign3A_350 : i1 to i32
          %sign3A_352 = arith.constant 0 : i32
          %sign3A_353 = arith.cmpi slt, %sub3A_346, %sign3A_352 : i32
          %sign3A_354 = arith.extui %sign3A_353 : i1 to i32
          %sign3A_355 = arith.subi %sign3A_351, %sign3A_354 : i32
          %sign3A_356 = arith.constant 0 : i32
          %sign3A_357 = arith.cmpi sgt, %jit3A_347, %sign3A_356 : i32
          %sign3A_358 = arith.extui %sign3A_357 : i1 to i32
          %sign3A_359 = arith.constant 0 : i32
          %sign3A_360 = arith.cmpi slt, %jit3A_347, %sign3A_359 : i32
          %sign3A_361 = arith.extui %sign3A_360 : i1 to i32
          %sign3A_362 = arith.subi %sign3A_358, %sign3A_361 : i32
          %ne3A_363 = arith.cmpi ne, %sign3A_355, %sign3A_362 : i32
          %rem3A_364 = arith.remsi %sub3A_346, %jit3A_347 : i32
          %ne3A_365 = arith.constant 0 : i32
          %ne3A_366 = arith.cmpi ne, %rem3A_364, %ne3A_365 : i32
          %and3A_367 = arith.andi %ne3A_363, %ne3A_366 : i1
          %sub3A_368 = arith.constant 1 : i32
          %sub3A_369 = arith.subi %div3A_348, %sub3A_368 : i32
          %select_n3A_370 = arith.select %and3A_367, %sub3A_369, %div3A_348 : i32
          %mul3A_371 = arith.constant 4 : i32
          %mul3A_372 = arith.muli %select_n3A_370, %mul3A_371 : i32
          %add3A_373 = arith.addi %mul3A_372, %select_n3A_30 : i32
          %jit3A_374 = arith.constant 5 : i32
          %eq3A_375 = arith.constant 0 : i32
          %eq3A_376 = arith.cmpi eq, %jit3A_374, %eq3A_375 : i32
          %jit3A_377 = arith.constant 1 : i32
          %select_n3A_378 = arith.select %eq3A_376, %jit3A_377, %jit3A_374 : i32
          %rem3A_379 = arith.remsi %sub3A_346, %select_n3A_378 : i32
          %ne3A_380 = arith.constant 0 : i32
          %ne3A_381 = arith.cmpi ne, %rem3A_379, %ne3A_380 : i32
          %lt3A_382 = arith.constant 0 : i32
          %lt3A_383 = arith.cmpi slt, %rem3A_379, %lt3A_382 : i32
          %lt3A_384 = arith.constant 0 : i32
          %lt3A_385 = arith.cmpi slt, %select_n3A_378, %lt3A_384 : i32
          %ne3A_386 = arith.xori %lt3A_383, %lt3A_385 : i1
          %and3A_387 = arith.andi %ne3A_386, %ne3A_381 : i1
          %add3A_388 = arith.addi %rem3A_379, %select_n3A_378 : i32
          %select_n3A_389 = arith.select %and3A_387, %add3A_388, %rem3A_379 : i32
          %mul3A_390 = arith.constant 200 : i32
          %mul3A_391 = arith.muli %select_n3A_389, %mul3A_390 : i32
          %add3A_392 = arith.constant 0 : i32
          %add3A_393 = vector.broadcast %add3A_392 : i32 to vector<16xi32>
          %add3A_394 = arith.addi %add3A_393, %iota3A : vector<16xi32>
          %get3A_395 = arith.index_cast %add3A_373 : i32 to index
          %get3A_396 = arith.constant 0 : index
          %get3A_397 = tpu.vector_load %arg4[%get3A_395, %get3A_396] {strides = array<i32>} : memref<50x128xi32, #tpu.memory_space<vmem>>, vector<16xi32>,
          %ge3A_398 = vector.broadcast %mul3A_391 : i32 to vector<16xi32>
          %ge3A_399 = arith.cmpi sge, %get3A_397, %ge3A_398 : vector<16xi32>
          %add3A_400 = arith.constant 200 : i32
          %add3A_401 = arith.addi %mul3A_391, %add3A_400 : i32
          %lt3A_402 = vector.broadcast %add3A_401 : i32 to vector<16xi32>
          %lt3A_403 = arith.cmpi slt, %get3A_397, %lt3A_402 : vector<16xi32>
          %and3A_404 = arith.andi %ge3A_399, %lt3A_403 : vector<16xi1>
          %sub3A_405 = vector.broadcast %mul3A_391 : i32 to vector<16xi32>
          %sub3A_406 = arith.subi %get3A_397, %sub3A_405 : vector<16xi32>
          tpu.vector_store_idx %arg6[%sub3A_406, %add3A_394], %broadcast_in_dim3A_43 masked %and3A_404 : memref<200x128xf32, #tpu.memory_space<vmem>>[vector<16xi32>, vector<16xi32>], vector<16xf32>, vector<16xi1>
          %add3A_407 = arith.constant 16 : i32
          %add3A_408 = vector.broadcast %add3A_407 : i32 to vector<16xi32>
          %add3A_409 = arith.addi %add3A_408, %iota3A : vector<16xi32>
          %get3A_410 = arith.index_cast %add3A_373 : i32 to index
          %get3A_411 = arith.constant 16 : index
          %get3A_412 = tpu.vector_load %arg4[%get3A_410, %get3A_411] {strides = array<i32>} : memref<50x128xi32, #tpu.memory_space<vmem>>, vector<16xi32>,
          %ge3A_413 = vector.broadcast %mul3A_391 : i32 to vector<16xi32>
          %ge3A_414 = arith.cmpi sge, %get3A_412, %ge3A_413 : vector<16xi32>
          %add3A_415 = arith.constant 200 : i32
          %add3A_416 = arith.addi %mul3A_391, %add3A_415 : i32
          %lt3A_417 = vector.broadcast %add3A_416 : i32 to vector<16xi32>
          %lt3A_418 = arith.cmpi slt, %get3A_412, %lt3A_417 : vector<16xi32>
          %and3A_419 = arith.andi %ge3A_414, %lt3A_418 : vector<16xi1>
          %sub3A_420 = vector.broadcast %mul3A_391 : i32 to vector<16xi32>
          %sub3A_421 = arith.subi %get3A_412, %sub3A_420 : vector<16xi32>
          tpu.vector_store_idx %arg6[%sub3A_421, %add3A_409], %broadcast_in_dim3A_43 masked %and3A_419 : memref<200x128xf32, #tpu.memory_space<vmem>>[vector<16xi32>, vector<16xi32>], vector<16xf32>, vector<16xi1>
          %add3A_422 = arith.constant 32 : i32
          %add3A_423 = vector.broadcast %add3A_422 : i32 to vector<16xi32>
          %add3A_424 = arith.addi %add3A_423, %iota3A : vector<16xi32>
          %get3A_425 = arith.index_cast %add3A_373 : i32 to index
          %get3A_426 = arith.constant 32 : index
          %get3A_427 = tpu.vector_load %arg4[%get3A_425, %get3A_426] {strides = array<i32>} : memref<50x128xi32, #tpu.memory_space<vmem>>, vector<16xi32>,
          %ge3A_428 = vector.broadcast %mul3A_391 : i32 to vector<16xi32>
          %ge3A_429 = arith.cmpi sge, %get3A_427, %ge3A_428 : vector<16xi32>
          %add3A_430 = arith.constant 200 : i32
          %add3A_431 = arith.addi %mul3A_391, %add3A_430 : i32
          %lt3A_432 = vector.broadcast %add3A_431 : i32 to vector<16xi32>
          %lt3A_433 = arith.cmpi slt, %get3A_427, %lt3A_432 : vector<16xi32>
          %and3A_434 = arith.andi %ge3A_429, %lt3A_433 : vector<16xi1>
          %sub3A_435 = vector.broadcast %mul3A_391 : i32 to vector<16xi32>
          %sub3A_436 = arith.subi %get3A_427, %sub3A_435 : vector<16xi32>
          tpu.vector_store_idx %arg6[%sub3A_436, %add3A_424], %broadcast_in_dim3A_43 masked %and3A_434 : memref<200x128xf32, #tpu.memory_space<vmem>>[vector<16xi32>, vector<16xi32>], vector<16xf32>, vector<16xi1>
          %add3A_437 = arith.constant 48 : i32
          %add3A_438 = vector.broadcast %add3A_437 : i32 to vector<16xi32>
          %add3A_439 = arith.addi %add3A_438, %iota3A : vector<16xi32>
          %get3A_440 = arith.index_cast %add3A_373 : i32 to index
          %get3A_441 = arith.constant 48 : index
          %get3A_442 = tpu.vector_load %arg4[%get3A_440, %get3A_441] {strides = array<i32>} : memref<50x128xi32, #tpu.memory_space<vmem>>, vector<16xi32>,
          %ge3A_443 = vector.broadcast %mul3A_391 : i32 to vector<16xi32>
          %ge3A_444 = arith.cmpi sge, %get3A_442, %ge3A_443 : vector<16xi32>
          %add3A_445 = arith.constant 200 : i32
          %add3A_446 = arith.addi %mul3A_391, %add3A_445 : i32
          %lt3A_447 = vector.broadcast %add3A_446 : i32 to vector<16xi32>
          %lt3A_448 = arith.cmpi slt, %get3A_442, %lt3A_447 : vector<16xi32>
          %and3A_449 = arith.andi %ge3A_444, %lt3A_448 : vector<16xi1>
          %sub3A_450 = vector.broadcast %mul3A_391 : i32 to vector<16xi32>
          %sub3A_451 = arith.subi %get3A_442, %sub3A_450 : vector<16xi32>
          tpu.vector_store_idx %arg6[%sub3A_451, %add3A_439], %broadcast_in_dim3A_43 masked %and3A_449 : memref<200x128xf32, #tpu.memory_space<vmem>>[vector<16xi32>, vector<16xi32>], vector<16xf32>, vector<16xi1>
          %add3A_452 = arith.constant 64 : i32
          %add3A_453 = vector.broadcast %add3A_452 : i32 to vector<16xi32>
          %add3A_454 = arith.addi %add3A_453, %iota3A : vector<16xi32>
          %get3A_455 = arith.index_cast %add3A_373 : i32 to index
          %get3A_456 = arith.constant 64 : index
          %get3A_457 = tpu.vector_load %arg4[%get3A_455, %get3A_456] {strides = array<i32>} : memref<50x128xi32, #tpu.memory_space<vmem>>, vector<16xi32>,
          %ge3A_458 = vector.broadcast %mul3A_391 : i32 to vector<16xi32>
          %ge3A_459 = arith.cmpi sge, %get3A_457, %ge3A_458 : vector<16xi32>
          %add3A_460 = arith.constant 200 : i32
          %add3A_461 = arith.addi %mul3A_391, %add3A_460 : i32
          %lt3A_462 = vector.broadcast %add3A_461 : i32 to vector<16xi32>
          %lt3A_463 = arith.cmpi slt, %get3A_457, %lt3A_462 : vector<16xi32>
          %and3A_464 = arith.andi %ge3A_459, %lt3A_463 : vector<16xi1>
          %sub3A_465 = vector.broadcast %mul3A_391 : i32 to vector<16xi32>
          %sub3A_466 = arith.subi %get3A_457, %sub3A_465 : vector<16xi32>
          tpu.vector_store_idx %arg6[%sub3A_466, %add3A_454], %broadcast_in_dim3A_43 masked %and3A_464 : memref<200x128xf32, #tpu.memory_space<vmem>>[vector<16xi32>, vector<16xi32>], vector<16xf32>, vector<16xi1>
          %add3A_467 = arith.constant 80 : i32
          %add3A_468 = vector.broadcast %add3A_467 : i32 to vector<16xi32>
          %add3A_469 = arith.addi %add3A_468, %iota3A : vector<16xi32>
          %get3A_470 = arith.index_cast %add3A_373 : i32 to index
          %get3A_471 = arith.constant 80 : index
          %get3A_472 = tpu.vector_load %arg4[%get3A_470, %get3A_471] {strides = array<i32>} : memref<50x128xi32, #tpu.memory_space<vmem>>, vector<16xi32>,
          %ge3A_473 = vector.broadcast %mul3A_391 : i32 to vector<16xi32>
          %ge3A_474 = arith.cmpi sge, %get3A_472, %ge3A_473 : vector<16xi32>
          %add3A_475 = arith.constant 200 : i32
          %add3A_476 = arith.addi %mul3A_391, %add3A_475 : i32
          %lt3A_477 = vector.broadcast %add3A_476 : i32 to vector<16xi32>
          %lt3A_478 = arith.cmpi slt, %get3A_472, %lt3A_477 : vector<16xi32>
          %and3A_479 = arith.andi %ge3A_474, %lt3A_478 : vector<16xi1>
          %sub3A_480 = vector.broadcast %mul3A_391 : i32 to vector<16xi32>
          %sub3A_481 = arith.subi %get3A_472, %sub3A_480 : vector<16xi32>
          tpu.vector_store_idx %arg6[%sub3A_481, %add3A_469], %broadcast_in_dim3A_43 masked %and3A_479 : memref<200x128xf32, #tpu.memory_space<vmem>>[vector<16xi32>, vector<16xi32>], vector<16xf32>, vector<16xi1>
          %add3A_482 = arith.constant 96 : i32
          %add3A_483 = vector.broadcast %add3A_482 : i32 to vector<16xi32>
          %add3A_484 = arith.addi %add3A_483, %iota3A : vector<16xi32>
          %get3A_485 = arith.index_cast %add3A_373 : i32 to index
          %get3A_486 = arith.constant 96 : index
          %get3A_487 = tpu.vector_load %arg4[%get3A_485, %get3A_486] {strides = array<i32>} : memref<50x128xi32, #tpu.memory_space<vmem>>, vector<16xi32>,
          %ge3A_488 = vector.broadcast %mul3A_391 : i32 to vector<16xi32>
          %ge3A_489 = arith.cmpi sge, %get3A_487, %ge3A_488 : vector<16xi32>
          %add3A_490 = arith.constant 200 : i32
          %add3A_491 = arith.addi %mul3A_391, %add3A_490 : i32
          %lt3A_492 = vector.broadcast %add3A_491 : i32 to vector<16xi32>
          %lt3A_493 = arith.cmpi slt, %get3A_487, %lt3A_492 : vector<16xi32>
          %and3A_494 = arith.andi %ge3A_489, %lt3A_493 : vector<16xi1>
          %sub3A_495 = vector.broadcast %mul3A_391 : i32 to vector<16xi32>
          %sub3A_496 = arith.subi %get3A_487, %sub3A_495 : vector<16xi32>
          tpu.vector_store_idx %arg6[%sub3A_496, %add3A_484], %broadcast_in_dim3A_43 masked %and3A_494 : memref<200x128xf32, #tpu.memory_space<vmem>>[vector<16xi32>, vector<16xi32>], vector<16xf32>, vector<16xi1>
          %add3A_497 = arith.constant 112 : i32
          %add3A_498 = vector.broadcast %add3A_497 : i32 to vector<16xi32>
          %add3A_499 = arith.addi %add3A_498, %iota3A : vector<16xi32>
          %get3A_500 = arith.index_cast %add3A_373 : i32 to index
          %get3A_501 = arith.constant 112 : index
          %get3A_502 = tpu.vector_load %arg4[%get3A_500, %get3A_501] {strides = array<i32>} : memref<50x128xi32, #tpu.memory_space<vmem>>, vector<16xi32>,
          %ge3A_503 = vector.broadcast %mul3A_391 : i32 to vector<16xi32>
          %ge3A_504 = arith.cmpi sge, %get3A_502, %ge3A_503 : vector<16xi32>
          %add3A_505 = arith.constant 200 : i32
          %add3A_506 = arith.addi %mul3A_391, %add3A_505 : i32
          %lt3A_507 = vector.broadcast %add3A_506 : i32 to vector<16xi32>
          %lt3A_508 = arith.cmpi slt, %get3A_502, %lt3A_507 : vector<16xi32>
          %and3A_509 = arith.andi %ge3A_504, %lt3A_508 : vector<16xi1>
          %sub3A_510 = vector.broadcast %mul3A_391 : i32 to vector<16xi32>
          %sub3A_511 = arith.subi %get3A_502, %sub3A_510 : vector<16xi32>
          tpu.vector_store_idx %arg6[%sub3A_511, %add3A_499], %broadcast_in_dim3A_43 masked %and3A_509 : memref<200x128xf32, #tpu.memory_space<vmem>>[vector<16xi32>, vector<16xi32>], vector<16xf32>, vector<16xi1>
        } else {
        }
        %jit3A_109 = arith.constant 5 : i32
        %div3A_110 = arith.divsi %add3A_100, %jit3A_109 : i32
        %sign3A_111 = arith.constant 0 : i32
        %sign3A_112 = arith.cmpi sgt, %add3A_100, %sign3A_111 : i32
        %sign3A_113 = arith.extui %sign3A_112 : i1 to i32
        %sign3A_114 = arith.constant 0 : i32
        %sign3A_115 = arith.cmpi slt, %add3A_100, %sign3A_114 : i32
        %sign3A_116 = arith.extui %sign3A_115 : i1 to i32
        %sign3A_117 = arith.subi %sign3A_113, %sign3A_116 : i32
        %sign3A_118 = arith.constant 0 : i32
        %sign3A_119 = arith.cmpi sgt, %jit3A_109, %sign3A_118 : i32
        %sign3A_120 = arith.extui %sign3A_119 : i1 to i32
        %sign3A_121 = arith.constant 0 : i32
        %sign3A_122 = arith.cmpi slt, %jit3A_109, %sign3A_121 : i32
        %sign3A_123 = arith.extui %sign3A_122 : i1 to i32
        %sign3A_124 = arith.subi %sign3A_120, %sign3A_123 : i32
        %ne3A_125 = arith.cmpi ne, %sign3A_117, %sign3A_124 : i32
        %rem3A_126 = arith.remsi %add3A_100, %jit3A_109 : i32
        %ne3A_127 = arith.constant 0 : i32
        %ne3A_128 = arith.cmpi ne, %rem3A_126, %ne3A_127 : i32
        %and3A_129 = arith.andi %ne3A_125, %ne3A_128 : i1
        %sub3A_130 = arith.constant 1 : i32
        %sub3A_131 = arith.subi %div3A_110, %sub3A_130 : i32
        %select_n3A_132 = arith.select %and3A_129, %sub3A_131, %div3A_110 : i32
        %mul3A_133 = arith.constant 4 : i32
        %mul3A_134 = arith.muli %select_n3A_132, %mul3A_133 : i32
        %add3A_135 = arith.addi %mul3A_134, %select_n3A_30 : i32
        %jit3A_136 = arith.constant 5 : i32
        %eq3A_137 = arith.constant 0 : i32
        %eq3A_138 = arith.cmpi eq, %jit3A_136, %eq3A_137 : i32
        %jit3A_139 = arith.constant 1 : i32
        %select_n3A_140 = arith.select %eq3A_138, %jit3A_139, %jit3A_136 : i32
        %rem3A_141 = arith.remsi %add3A_100, %select_n3A_140 : i32
        %ne3A_142 = arith.constant 0 : i32
        %ne3A_143 = arith.cmpi ne, %rem3A_141, %ne3A_142 : i32
        %lt3A_144 = arith.constant 0 : i32
        %lt3A_145 = arith.cmpi slt, %rem3A_141, %lt3A_144 : i32
        %lt3A_146 = arith.constant 0 : i32
        %lt3A_147 = arith.cmpi slt, %select_n3A_140, %lt3A_146 : i32
        %ne3A_148 = arith.xori %lt3A_145, %lt3A_147 : i1
        %and3A_149 = arith.andi %ne3A_148, %ne3A_143 : i1
        %add3A_150 = arith.addi %rem3A_141, %select_n3A_140 : i32
        %select_n3A_151 = arith.select %and3A_149, %add3A_150, %rem3A_141 : i32
        %mul3A_152 = arith.constant 200 : i32
        %mul3A_153 = arith.muli %select_n3A_151, %mul3A_152 : i32
        %add3A_154 = arith.constant 0 : i32
        %add3A_155 = vector.broadcast %add3A_154 : i32 to vector<16xi32>
        %add3A_156 = arith.addi %add3A_155, %iota3A : vector<16xi32>
        %get3A = arith.index_cast %add3A_135 : i32 to index
        %get3A_157 = arith.constant 0 : index
        %get3A_158 = tpu.vector_load %arg4[%get3A, %get3A_157] {strides = array<i32>} : memref<50x128xi32, #tpu.memory_space<vmem>>, vector<16xi32>,
        %ge3A_159 = vector.broadcast %mul3A_153 : i32 to vector<16xi32>
        %ge3A_160 = arith.cmpi sge, %get3A_158, %ge3A_159 : vector<16xi32>
        %add3A_161 = arith.constant 200 : i32
        %add3A_162 = arith.addi %mul3A_153, %add3A_161 : i32
        %lt3A_163 = vector.broadcast %add3A_162 : i32 to vector<16xi32>
        %lt3A_164 = arith.cmpi slt, %get3A_158, %lt3A_163 : vector<16xi32>
        %and3A_165 = arith.andi %ge3A_160, %lt3A_164 : vector<16xi1>
        %sub3A_166 = vector.broadcast %mul3A_153 : i32 to vector<16xi32>
        %sub3A_167 = arith.subi %get3A_158, %sub3A_166 : vector<16xi32>
        tpu.vector_store_idx %arg6[%sub3A_167, %add3A_156], %broadcast_in_dim3A_45 masked %and3A_165 : memref<200x128xf32, #tpu.memory_space<vmem>>[vector<16xi32>, vector<16xi32>], vector<16xf32>, vector<16xi1>
        %add3A_168 = arith.constant 16 : i32
        %add3A_169 = vector.broadcast %add3A_168 : i32 to vector<16xi32>
        %add3A_170 = arith.addi %add3A_169, %iota3A : vector<16xi32>
        %get3A_171 = arith.index_cast %add3A_135 : i32 to index
        %get3A_172 = arith.constant 16 : index
        %get3A_173 = tpu.vector_load %arg4[%get3A_171, %get3A_172] {strides = array<i32>} : memref<50x128xi32, #tpu.memory_space<vmem>>, vector<16xi32>,
        %ge3A_174 = vector.broadcast %mul3A_153 : i32 to vector<16xi32>
        %ge3A_175 = arith.cmpi sge, %get3A_173, %ge3A_174 : vector<16xi32>
        %add3A_176 = arith.constant 200 : i32
        %add3A_177 = arith.addi %mul3A_153, %add3A_176 : i32
        %lt3A_178 = vector.broadcast %add3A_177 : i32 to vector<16xi32>
        %lt3A_179 = arith.cmpi slt, %get3A_173, %lt3A_178 : vector<16xi32>
        %and3A_180 = arith.andi %ge3A_175, %lt3A_179 : vector<16xi1>
        %sub3A_181 = vector.broadcast %mul3A_153 : i32 to vector<16xi32>
        %sub3A_182 = arith.subi %get3A_173, %sub3A_181 : vector<16xi32>
        tpu.vector_store_idx %arg6[%sub3A_182, %add3A_170], %broadcast_in_dim3A_45 masked %and3A_180 : memref<200x128xf32, #tpu.memory_space<vmem>>[vector<16xi32>, vector<16xi32>], vector<16xf32>, vector<16xi1>
        %add3A_183 = arith.constant 32 : i32
        %add3A_184 = vector.broadcast %add3A_183 : i32 to vector<16xi32>
        %add3A_185 = arith.addi %add3A_184, %iota3A : vector<16xi32>
        %get3A_186 = arith.index_cast %add3A_135 : i32 to index
        %get3A_187 = arith.constant 32 : index
        %get3A_188 = tpu.vector_load %arg4[%get3A_186, %get3A_187] {strides = array<i32>} : memref<50x128xi32, #tpu.memory_space<vmem>>, vector<16xi32>,
        %ge3A_189 = vector.broadcast %mul3A_153 : i32 to vector<16xi32>
        %ge3A_190 = arith.cmpi sge, %get3A_188, %ge3A_189 : vector<16xi32>
        %add3A_191 = arith.constant 200 : i32
        %add3A_192 = arith.addi %mul3A_153, %add3A_191 : i32
        %lt3A_193 = vector.broadcast %add3A_192 : i32 to vector<16xi32>
        %lt3A_194 = arith.cmpi slt, %get3A_188, %lt3A_193 : vector<16xi32>
        %and3A_195 = arith.andi %ge3A_190, %lt3A_194 : vector<16xi1>
        %sub3A_196 = vector.broadcast %mul3A_153 : i32 to vector<16xi32>
        %sub3A_197 = arith.subi %get3A_188, %sub3A_196 : vector<16xi32>
        tpu.vector_store_idx %arg6[%sub3A_197, %add3A_185], %broadcast_in_dim3A_45 masked %and3A_195 : memref<200x128xf32, #tpu.memory_space<vmem>>[vector<16xi32>, vector<16xi32>], vector<16xf32>, vector<16xi1>
        %add3A_198 = arith.constant 48 : i32
        %add3A_199 = vector.broadcast %add3A_198 : i32 to vector<16xi32>
        %add3A_200 = arith.addi %add3A_199, %iota3A : vector<16xi32>
        %get3A_201 = arith.index_cast %add3A_135 : i32 to index
        %get3A_202 = arith.constant 48 : index
        %get3A_203 = tpu.vector_load %arg4[%get3A_201, %get3A_202] {strides = array<i32>} : memref<50x128xi32, #tpu.memory_space<vmem>>, vector<16xi32>,
        %ge3A_204 = vector.broadcast %mul3A_153 : i32 to vector<16xi32>
        %ge3A_205 = arith.cmpi sge, %get3A_203, %ge3A_204 : vector<16xi32>
        %add3A_206 = arith.constant 200 : i32
        %add3A_207 = arith.addi %mul3A_153, %add3A_206 : i32
        %lt3A_208 = vector.broadcast %add3A_207 : i32 to vector<16xi32>
        %lt3A_209 = arith.cmpi slt, %get3A_203, %lt3A_208 : vector<16xi32>
        %and3A_210 = arith.andi %ge3A_205, %lt3A_209 : vector<16xi1>
        %sub3A_211 = vector.broadcast %mul3A_153 : i32 to vector<16xi32>
        %sub3A_212 = arith.subi %get3A_203, %sub3A_211 : vector<16xi32>
        tpu.vector_store_idx %arg6[%sub3A_212, %add3A_200], %broadcast_in_dim3A_45 masked %and3A_210 : memref<200x128xf32, #tpu.memory_space<vmem>>[vector<16xi32>, vector<16xi32>], vector<16xf32>, vector<16xi1>
        %add3A_213 = arith.constant 64 : i32
        %add3A_214 = vector.broadcast %add3A_213 : i32 to vector<16xi32>
        %add3A_215 = arith.addi %add3A_214, %iota3A : vector<16xi32>
        %get3A_216 = arith.index_cast %add3A_135 : i32 to index
        %get3A_217 = arith.constant 64 : index
        %get3A_218 = tpu.vector_load %arg4[%get3A_216, %get3A_217] {strides = array<i32>} : memref<50x128xi32, #tpu.memory_space<vmem>>, vector<16xi32>,
        %ge3A_219 = vector.broadcast %mul3A_153 : i32 to vector<16xi32>
        %ge3A_220 = arith.cmpi sge, %get3A_218, %ge3A_219 : vector<16xi32>
        %add3A_221 = arith.constant 200 : i32
        %add3A_222 = arith.addi %mul3A_153, %add3A_221 : i32
        %lt3A_223 = vector.broadcast %add3A_222 : i32 to vector<16xi32>
        %lt3A_224 = arith.cmpi slt, %get3A_218, %lt3A_223 : vector<16xi32>
        %and3A_225 = arith.andi %ge3A_220, %lt3A_224 : vector<16xi1>
        %sub3A_226 = vector.broadcast %mul3A_153 : i32 to vector<16xi32>
        %sub3A_227 = arith.subi %get3A_218, %sub3A_226 : vector<16xi32>
        tpu.vector_store_idx %arg6[%sub3A_227, %add3A_215], %broadcast_in_dim3A_45 masked %and3A_225 : memref<200x128xf32, #tpu.memory_space<vmem>>[vector<16xi32>, vector<16xi32>], vector<16xf32>, vector<16xi1>
        %add3A_228 = arith.constant 80 : i32
        %add3A_229 = vector.broadcast %add3A_228 : i32 to vector<16xi32>
        %add3A_230 = arith.addi %add3A_229, %iota3A : vector<16xi32>
        %get3A_231 = arith.index_cast %add3A_135 : i32 to index
        %get3A_232 = arith.constant 80 : index
        %get3A_233 = tpu.vector_load %arg4[%get3A_231, %get3A_232] {strides = array<i32>} : memref<50x128xi32, #tpu.memory_space<vmem>>, vector<16xi32>,
        %ge3A_234 = vector.broadcast %mul3A_153 : i32 to vector<16xi32>
        %ge3A_235 = arith.cmpi sge, %get3A_233, %ge3A_234 : vector<16xi32>
        %add3A_236 = arith.constant 200 : i32
        %add3A_237 = arith.addi %mul3A_153, %add3A_236 : i32
        %lt3A_238 = vector.broadcast %add3A_237 : i32 to vector<16xi32>
        %lt3A_239 = arith.cmpi slt, %get3A_233, %lt3A_238 : vector<16xi32>
        %and3A_240 = arith.andi %ge3A_235, %lt3A_239 : vector<16xi1>
        %sub3A_241 = vector.broadcast %mul3A_153 : i32 to vector<16xi32>
        %sub3A_242 = arith.subi %get3A_233, %sub3A_241 : vector<16xi32>
        tpu.vector_store_idx %arg6[%sub3A_242, %add3A_230], %broadcast_in_dim3A_45 masked %and3A_240 : memref<200x128xf32, #tpu.memory_space<vmem>>[vector<16xi32>, vector<16xi32>], vector<16xf32>, vector<16xi1>
        %add3A_243 = arith.constant 96 : i32
        %add3A_244 = vector.broadcast %add3A_243 : i32 to vector<16xi32>
        %add3A_245 = arith.addi %add3A_244, %iota3A : vector<16xi32>
        %get3A_246 = arith.index_cast %add3A_135 : i32 to index
        %get3A_247 = arith.constant 96 : index
        %get3A_248 = tpu.vector_load %arg4[%get3A_246, %get3A_247] {strides = array<i32>} : memref<50x128xi32, #tpu.memory_space<vmem>>, vector<16xi32>,
        %ge3A_249 = vector.broadcast %mul3A_153 : i32 to vector<16xi32>
        %ge3A_250 = arith.cmpi sge, %get3A_248, %ge3A_249 : vector<16xi32>
        %add3A_251 = arith.constant 200 : i32
        %add3A_252 = arith.addi %mul3A_153, %add3A_251 : i32
        %lt3A_253 = vector.broadcast %add3A_252 : i32 to vector<16xi32>
        %lt3A_254 = arith.cmpi slt, %get3A_248, %lt3A_253 : vector<16xi32>
        %and3A_255 = arith.andi %ge3A_250, %lt3A_254 : vector<16xi1>
        %sub3A_256 = vector.broadcast %mul3A_153 : i32 to vector<16xi32>
        %sub3A_257 = arith.subi %get3A_248, %sub3A_256 : vector<16xi32>
        tpu.vector_store_idx %arg6[%sub3A_257, %add3A_245], %broadcast_in_dim3A_45 masked %and3A_255 : memref<200x128xf32, #tpu.memory_space<vmem>>[vector<16xi32>, vector<16xi32>], vector<16xf32>, vector<16xi1>
        %add3A_258 = arith.constant 112 : i32
        %add3A_259 = vector.broadcast %add3A_258 : i32 to vector<16xi32>
        %add3A_260 = arith.addi %add3A_259, %iota3A : vector<16xi32>
        %get3A_261 = arith.index_cast %add3A_135 : i32 to index
        %get3A_262 = arith.constant 112 : index
        %get3A_263 = tpu.vector_load %arg4[%get3A_261, %get3A_262] {strides = array<i32>} : memref<50x128xi32, #tpu.memory_space<vmem>>, vector<16xi32>,
        %ge3A_264 = vector.broadcast %mul3A_153 : i32 to vector<16xi32>
        %ge3A_265 = arith.cmpi sge, %get3A_263, %ge3A_264 : vector<16xi32>
        %add3A_266 = arith.constant 200 : i32
        %add3A_267 = arith.addi %mul3A_153, %add3A_266 : i32
        %lt3A_268 = vector.broadcast %add3A_267 : i32 to vector<16xi32>
        %lt3A_269 = arith.cmpi slt, %get3A_263, %lt3A_268 : vector<16xi32>
        %and3A_270 = arith.andi %ge3A_265, %lt3A_269 : vector<16xi1>
        %sub3A_271 = vector.broadcast %mul3A_153 : i32 to vector<16xi32>
        %sub3A_272 = arith.subi %get3A_263, %sub3A_271 : vector<16xi32>
        tpu.vector_store_idx %arg6[%sub3A_272, %add3A_260], %broadcast_in_dim3A_45 masked %and3A_270 : memref<200x128xf32, #tpu.memory_space<vmem>>[vector<16xi32>, vector<16xi32>], vector<16xf32>, vector<16xi1>
        %jit3A_273 = arith.constant 5 : i32
        %div3A_274 = arith.divsi %add3A_100, %jit3A_273 : i32
        %sign3A_275 = arith.constant 0 : i32
        %sign3A_276 = arith.cmpi sgt, %add3A_100, %sign3A_275 : i32
        %sign3A_277 = arith.extui %sign3A_276 : i1 to i32
        %sign3A_278 = arith.constant 0 : i32
        %sign3A_279 = arith.cmpi slt, %add3A_100, %sign3A_278 : i32
        %sign3A_280 = arith.extui %sign3A_279 : i1 to i32
        %sign3A_281 = arith.subi %sign3A_277, %sign3A_280 : i32
        %sign3A_282 = arith.constant 0 : i32
        %sign3A_283 = arith.cmpi sgt, %jit3A_273, %sign3A_282 : i32
        %sign3A_284 = arith.extui %sign3A_283 : i1 to i32
        %sign3A_285 = arith.constant 0 : i32
        %sign3A_286 = arith.cmpi slt, %jit3A_273, %sign3A_285 : i32
        %sign3A_287 = arith.extui %sign3A_286 : i1 to i32
        %sign3A_288 = arith.subi %sign3A_284, %sign3A_287 : i32
        %ne3A_289 = arith.cmpi ne, %sign3A_281, %sign3A_288 : i32
        %rem3A_290 = arith.remsi %add3A_100, %jit3A_273 : i32
        %ne3A_291 = arith.constant 0 : i32
        %ne3A_292 = arith.cmpi ne, %rem3A_290, %ne3A_291 : i32
        %and3A_293 = arith.andi %ne3A_289, %ne3A_292 : i1
        %sub3A_294 = arith.constant 1 : i32
        %sub3A_295 = arith.subi %div3A_274, %sub3A_294 : i32
        %select_n3A_296 = arith.select %and3A_293, %sub3A_295, %div3A_274 : i32
        %mul3A_297 = arith.constant 4 : i32
        %mul3A_298 = arith.muli %select_n3A_296, %mul3A_297 : i32
        %add3A_299 = arith.addi %mul3A_298, %select_n3A_30 : i32
        %jit3A_300 = arith.constant 5 : i32
        %eq3A_301 = arith.constant 0 : i32
        %eq3A_302 = arith.cmpi eq, %jit3A_300, %eq3A_301 : i32
        %jit3A_303 = arith.constant 1 : i32
        %select_n3A_304 = arith.select %eq3A_302, %jit3A_303, %jit3A_300 : i32
        %rem3A_305 = arith.remsi %add3A_100, %select_n3A_304 : i32
        %ne3A_306 = arith.constant 0 : i32
        %ne3A_307 = arith.cmpi ne, %rem3A_305, %ne3A_306 : i32
        %lt3A_308 = arith.constant 0 : i32
        %lt3A_309 = arith.cmpi slt, %rem3A_305, %lt3A_308 : i32
        %lt3A_310 = arith.constant 0 : i32
        %lt3A_311 = arith.cmpi slt, %select_n3A_304, %lt3A_310 : i32
        %ne3A_312 = arith.xori %lt3A_309, %lt3A_311 : i1
        %and3A_313 = arith.andi %ne3A_312, %ne3A_307 : i1
        %add3A_314 = arith.addi %rem3A_305, %select_n3A_304 : i32
        %select_n3A_315 = arith.select %and3A_313, %add3A_314, %rem3A_305 : i32
        %mul3A_316 = arith.constant 200 : i32
        %mul3A_317 = arith.muli %select_n3A_315, %mul3A_316 : i32
        %mul3A_318 = arith.constant 128 : i32
        %mul3A_319 = arith.muli %select_n3A_9, %mul3A_318 : i32
        %dma_start3A_320 = arith.constant 0 : i32
        %dma_start3A_321 = arith.constant 0 : i32
        %dma_start3A_322 = tpu.memref_slice %arg3[%add3A_299, %dma_start3A_320, %dma_start3A_321] : memref<50x1000x1024xf32, #tpu.memory_space<hbm>> -> memref<1x1000x1024xf32, #tpu.memory_space<hbm>>
        %dma_start3A_323 = tpu.memref_squeeze %dma_start3A_322 : memref<1x1000x1024xf32, #tpu.memory_space<hbm>> -> memref<1000x1024xf32, #tpu.memory_space<hbm>>
        %dma_start3A_324 = tpu.memref_slice %dma_start3A_323[%mul3A_317, %mul3A_319] : memref<1000x1024xf32, #tpu.memory_space<hbm>> -> memref<200x128xf32, #tpu.memory_space<hbm>>
        %dma_start3A_325 = arith.constant 0 : i32
        %dma_start3A_326 = arith.constant 0 : i32
        %dma_start3A_327 = tpu.memref_slice %arg3[%add3A_299, %dma_start3A_325, %dma_start3A_326] : memref<50x1000x1024xf32, #tpu.memory_space<hbm>> -> memref<1x1000x1024xf32, #tpu.memory_space<hbm>>
        %dma_start3A_328 = tpu.memref_squeeze %dma_start3A_327 : memref<1x1000x1024xf32, #tpu.memory_space<hbm>> -> memref<1000x1024xf32, #tpu.memory_space<hbm>>
        %dma_start3A_329 = tpu.memref_slice %dma_start3A_328[%mul3A_317, %mul3A_319] : memref<1000x1024xf32, #tpu.memory_space<hbm>> -> memref<200x128xf32, #tpu.memory_space<hbm>>
        tpu.enqueue_dma source(%arg6 : memref<200x128xf32, #tpu.memory_space<vmem>>) target(%dma_start3A_329 : memref<200x128xf32, #tpu.memory_space<hbm>>) target_semaphore(%arg9 : memref<!tpu.dma_semaphore, #tpu.memory_space<semaphore_mem>>)
      } else {
      }
    }
    %scan3A_59 = arith.constant 33 : i32
    %dma_wait3A_60 = arith.constant 0 : i32
    %dma_wait3A_61 = arith.constant 0 : i32
    %dma_wait3A_62 = arith.constant 0 : i32
    %dma_wait3A_63 = tpu.memref_slice %arg3[%dma_wait3A_60, %dma_wait3A_61, %dma_wait3A_62] : memref<50x1000x1024xf32, #tpu.memory_space<hbm>> -> memref<1x1000x1024xf32, #tpu.memory_space<hbm>>
    %dma_wait3A_64 = tpu.memref_squeeze %dma_wait3A_63 : memref<1x1000x1024xf32, #tpu.memory_space<hbm>> -> memref<1000x1024xf32, #tpu.memory_space<hbm>>
    %dma_wait3A_65 = arith.constant 0 : i32
    %dma_wait3A_66 = arith.constant 0 : i32
    %dma_wait3A_67 = tpu.memref_slice %dma_wait3A_64[%dma_wait3A_65, %dma_wait3A_66] : memref<1000x1024xf32, #tpu.memory_space<hbm>> -> memref<200x128xf32, #tpu.memory_space<hbm>>
    %dma_wait3A_68 = arith.constant 0 : i32
    %dma_wait3A_69 = arith.constant 0 : i32
    %dma_wait3A_70 = tpu.memref_slice %arg3[%dma_wait3A_60, %dma_wait3A_68, %dma_wait3A_69] : memref<50x1000x1024xf32, #tpu.memory_space<hbm>> -> memref<1x1000x1024xf32, #tpu.memory_space<hbm>>
    %dma_wait3A_71 = tpu.memref_squeeze %dma_wait3A_70 : memref<1x1000x1024xf32, #tpu.memory_space<hbm>> -> memref<1000x1024xf32, #tpu.memory_space<hbm>>
    %dma_wait3A_72 = arith.constant 0 : i32
    %dma_wait3A_73 = arith.constant 0 : i32
    %dma_wait3A_74 = tpu.memref_slice %dma_wait3A_71[%dma_wait3A_72, %dma_wait3A_73] : memref<1000x1024xf32, #tpu.memory_space<hbm>> -> memref<200x128xf32, #tpu.memory_space<hbm>>
    tpu.wait_dma2 semaphore(%arg8 : memref<!tpu.dma_semaphore, #tpu.memory_space<semaphore_mem>>) src(%arg5 : memref<200x128xf32, #tpu.memory_space<vmem>>) dst(%dma_wait3A_74 : memref<200x128xf32, #tpu.memory_space<hbm>>)
    %dma_wait3A_75 = arith.constant 0 : i32
    %dma_wait3A_76 = arith.constant 0 : i32
    %dma_wait3A_77 = arith.constant 0 : i32
    %dma_wait3A_78 = tpu.memref_slice %arg3[%dma_wait3A_75, %dma_wait3A_76, %dma_wait3A_77] : memref<50x1000x1024xf32, #tpu.memory_space<hbm>> -> memref<1x1000x1024xf32, #tpu.memory_space<hbm>>
    %dma_wait3A_79 = tpu.memref_squeeze %dma_wait3A_78 : memref<1x1000x1024xf32, #tpu.memory_space<hbm>> -> memref<1000x1024xf32, #tpu.memory_space<hbm>>
    %dma_wait3A_80 = arith.constant 0 : i32
    %dma_wait3A_81 = arith.constant 0 : i32
    %dma_wait3A_82 = tpu.memref_slice %dma_wait3A_79[%dma_wait3A_80, %dma_wait3A_81] : memref<1000x1024xf32, #tpu.memory_space<hbm>> -> memref<200x128xf32, #tpu.memory_space<hbm>>
    %dma_wait3A_83 = arith.constant 0 : i32
    %dma_wait3A_84 = arith.constant 0 : i32
    %dma_wait3A_85 = tpu.memref_slice %arg3[%dma_wait3A_75, %dma_wait3A_83, %dma_wait3A_84] : memref<50x1000x1024xf32, #tpu.memory_space<hbm>> -> memref<1x1000x1024xf32, #tpu.memory_space<hbm>>
    %dma_wait3A_86 = tpu.memref_squeeze %dma_wait3A_85 : memref<1x1000x1024xf32, #tpu.memory_space<hbm>> -> memref<1000x1024xf32, #tpu.memory_space<hbm>>
    %dma_wait3A_87 = arith.constant 0 : i32
    %dma_wait3A_88 = arith.constant 0 : i32
    %dma_wait3A_89 = tpu.memref_slice %dma_wait3A_86[%dma_wait3A_87, %dma_wait3A_88] : memref<1000x1024xf32, #tpu.memory_space<hbm>> -> memref<200x128xf32, #tpu.memory_space<hbm>>
    tpu.wait_dma2 semaphore(%arg9 : memref<!tpu.dma_semaphore, #tpu.memory_space<semaphore_mem>>) src(%arg6 : memref<200x128xf32, #tpu.memory_space<vmem>>) dst(%dma_wait3A_89 : memref<200x128xf32, #tpu.memory_space<hbm>>)
    return
  }
}

</mosaic_0001>

<sc_bundles>
// kernel: kernel.3.cloned.1.call-start
scs
__scs_entry_jumppad:
0x0: {  	(pc) =	sbr.rel $0x88, $3  }
0x1: {  	(tag) =	ssettag $0x0;
	lr =	simm.s32 $0x1  }
0x2: {  	[smem:$0x3FA0] =	sst lr;
	_ =	strace $0xD0000000  }
0x3: {  	_ = 	snop  }
0x4: {  	_ = 	snop  }
0x5: {  	_ = 	snop  }
0x6: {  	_ = 	snop  }
0x7: {  	_ = 	snop  }
__scs_overlays_trampoline_lowered:
0x8: {  	[smem:$0x3FAF] =	sst s0  }
0x9: {  	[smem:$0x3FB0] =	sst s1  }
0xa: {  	[smem:$0x3FB1] =	sst s2  }
0xb: {  	[smem:$0x3FB2] =	sst s3  }
0xc: {  	[smem:$0x3FB3] =	sst s4  }
0xd: {  	[smem:$0x3FB4] =	sst s5  }
0xe: {  	[smem:$0x3FB5] =	sst s6  }
0xf: {  	[smem:$0x3FB6] =	sst s7  }
0x10: {  	[smem:$0x3FB7] =	sst s8  }
0x11: {  	[smem:$0x3FB8] =	sst s9;
	s0 =	simm.s32 @!p0 $0x0  }
0x12: {  	s1 =	sld [smem:$0x3F9E];
	s0 =	simm.s32 @p0 $0x1  }
0x13: {  	[smem:$0x3FB9] =	sst s0;
	s0 =	simm.s32 @!p1 $0x0  }
0x14: {  	s2 =	sld [smem:$0x3F9D];
	s0 =	simm.s32 @p1 $0x1  }
0x15: {  	[smem:$0x3FBA] =	sst s0;
	s0 =	simm.s32 @!p2 $0x0  }
0x16: {  	s3 =	sld [smem:$0x3FDB];
	s0 =	simm.s32 @p2 $0x1  }
0x17: {  	s4 =	simm.s32 $0x1BF5;
	[smem:$0x3FBC] =	sst s0  }
0x18: {  	s0 =	sld [smem:$0x3F9F];
	_ =	swait.ge [sflag:s4], $0x0  }
0x19: {  	s7 =	sld [smem:$0x3FA0]  }
0x1a: {  	s8 =	sadd.s32 $0xFFFFE003, lr  }
0x1b: {  	s9 =	sadd.s32 $0xFFFFFEF7, lr;
	s5 =	simm.s32 $0xFFFFFFFF;
	p2 =	slt.u32 s8, $0xFFFFF086  }
0x1c: {  	p1 =	slt.u32 s9, $0xF7A;
	s5 =	simm.s32 @!p2 $0x0  }
0x1d: {  	s5 =	simm.s32 @p1 $0x1;
	p0 =	seq.s32 s7, s2  }
0x1e: {  	s7 =	smul.u32 @!p0 $0xF7A, s2;
	p2 =	seq.s32 @!p0 s5, $0x0  }
0x1f: {  	s9 =	smul.u32 $0xF7A, s1;
	s8 =	simm.s32 @!p0 $0x1BF5;
	p2 =	por !p2, p0  }
0x20: {  	[sflag:s8] =	ssyncset.s32 @!p0 $0xFFFFF086;
	s6 =	sadd.s32 @!p0 s3, s7;
	s7 =	simm.s32 @!p0 $0x108  }
0x21: {  	s3 =	sadd.s32 s3, s9;
	s6 =	sadd.s32 @!p0 $0x88, s6;
	s7 =	simm.s32 @p2 $0x1082  }
0x22: {  	[simem:s7], [sflag:s8] =	dma.local @!p0 [hbm:s6], $0xF7A  }
0x23: {  	s9 =	sor.u32 $0xD0000000, s2;
	s6 =	simm.s32 $0x108;
	_ =	swait.ge @!p0 [sflag:s8], $0x0  }
0x24: {  	s3 =	sadd.s32 $0x88, s3;
	s6 =	simm.s32 @!p1 $0x1082;
	[sflag:s4] =	ssyncset.s32 $0xFFFFF086  }
0x25: {  	[simem:s6], [sflag:s4] =	dma.local [hbm:s3], $0xF7A  }
0x26: {  	[smem:$0x3FA0] =	sst s1;
	(tag) =	ssettag s2;
	_ =	strace s9  }
0x27: {  	s1 =	sld [smem:$0x3FB0]  }
0x28: {  	s2 =	sld [smem:$0x3FB1]  }
0x29: {  	s4 =	sld [smem:$0x3FB3]  }
0x2a: {  	p0 =	seq.s32 s5, $0x0;
	s5 =	sld [smem:$0x3FB4]  }
0x2b: {  	s6 =	sld [smem:$0x3FB5]  }
0x2c: {  	s7 =	sld [smem:$0x3FB6]  }
0x2d: {  	s3 =	simm.s32 $0x108;
	s8 =	sld [smem:$0x3FB7]  }
0x2e: {  	s3 =	simm.s32 @!p0 $0x1082;
	s9 =	sld [smem:$0x3FB8]  }
0x2f: {  	lr =	sadd.s32 s0, s3;
	s0 =	sld [smem:$0x3FAF]  }
0x30: {  	s3 =	sld [smem:$0x3FB2]  }
0x31: {  	[smem:$0x3FBB] =	sst s10  }
0x32: {  	s10 =	sld [smem:$0x3FB9];
	_ =	sdelay $0x3  }
0x33: {  	p0 =	seq.s32 s10, $0x1;
	s10 =	sld [smem:$0x3FBB];
	_ =	sdelay $0x3  }
0x34: {  	[smem:$0x3FBB] =	sst s10  }
0x35: {  	s10 =	sld [smem:$0x3FBA];
	_ =	sdelay $0x3  }
0x36: {  	p1 =	seq.s32 s10, $0x1;
	s10 =	sld [smem:$0x3FBB];
	_ =	sdelay $0x3  }
0x37: {  	[smem:$0x3FBB] =	sst s10  }
0x38: {  	s10 =	sld [smem:$0x3FBC]  }
0x39: {  	_ = 	snop;
	(pc) =	sbr.ind lr, $3  }
0x3a: {  	_ = 	snop  }
0x3b: {  	_ = 	snop  }
0x3c: {  	p2 =	seq.s32 s10, $0x1;
	s10 =	sld [smem:$0x3FBB]  }
0x3d: {  	_ =	shalt  }
0x3e: {  	_ =	shalt  }
0x3f: {  	_ =	shalt  }
0x40: {  	_ =	shalt  }
0x41: {  	_ =	shalt  }
0x42: {  	_ =	shalt  }
0x43: {  	_ =	shalt  }
0x44: {  	_ =	shalt  }
0x45: {  	_ =	shalt  }
0x46: {  	_ =	shalt  }
0x47: {  	_ =	shalt  }
0x48: {  	_ =	shalt  }
0x49: {  	_ =	shalt  }
0x4a: {  	_ =	shalt  }
0x4b: {  	_ =	shalt  }
0x4c: {  	_ =	shalt  }
0x4d: {  	_ =	shalt  }
0x4e: {  	_ =	shalt  }
0x4f: {  	_ =	shalt  }
0x50: {  	_ =	shalt  }
0x51: {  	_ =	shalt  }
0x52: {  	_ =	shalt  }
0x53: {  	_ =	shalt  }
0x54: {  	_ =	shalt  }
0x55: {  	_ =	shalt  }
0x56: {  	_ =	shalt  }
0x57: {  	_ =	shalt  }
0x58: {  	_ =	shalt  }
0x59: {  	_ =	shalt  }
0x5a: {  	_ =	shalt  }
0x5b: {  	_ =	shalt  }
0x5c: {  	_ =	shalt  }
0x5d: {  	_ =	shalt  }
0x5e: {  	_ =	shalt  }
0x5f: {  	_ =	shalt  }
0x60: {  	_ =	shalt  }
0x61: {  	_ =	shalt  }
0x62: {  	_ =	shalt  }
0x63: {  	_ =	shalt  }
0x64: {  	_ =	shalt  }
0x65: {  	_ =	shalt  }
0x66: {  	_ =	shalt  }
0x67: {  	_ =	shalt  }
0x68: {  	_ =	shalt  }
0x69: {  	_ =	shalt  }
0x6a: {  	_ =	shalt  }
0x6b: {  	_ =	shalt  }
0x6c: {  	_ =	shalt  }
0x6d: {  	_ =	shalt  }
0x6e: {  	_ =	shalt  }
0x6f: {  	_ =	shalt  }
0x70: {  	_ =	shalt  }
0x71: {  	_ =	shalt  }
0x72: {  	_ =	shalt  }
0x73: {  	_ =	shalt  }
0x74: {  	_ =	shalt  }
0x75: {  	_ =	shalt  }
0x76: {  	_ =	shalt  }
0x77: {  	_ =	shalt  }
0x78: {  	_ =	shalt  }
0x79: {  	_ =	shalt  }
0x7a: {  	_ =	shalt  }
0x7b: {  	_ =	shalt  }
0x7c: {  	_ =	shalt  }
0x7d: {  	_ =	shalt  }
0x7e: {  	_ =	shalt  }
0x7f: {  	_ =	shalt  }
0x80: {  	_ =	shalt  }
0x81: {  	_ =	shalt  }
0x82: {  	_ =	shalt  }
0x83: {  	_ =	shalt  }
0x84: {  	_ =	shalt  }
0x85: {  	_ =	shalt  }
0x86: {  	_ =	shalt  }
0x87: {  	_ =	shalt  }
.Lfunc_end0:
.L_simem_size_0:
called_computation_lowered:
.L_overlay_start_0:
0x88: {  	s2 =	sld [smem:$0x3FD9]  }
0x89: {  	s3 =	sld [smem:$0x3FFE];
	_ =	sdelay $0x1  }
0x8a: {  	s1 =	srdreg.scid  }
0x8b: {  	s0 =	sand.u32 $0x1, s1  }
0x8c: {  	s18 =	sshll.u32 s0, $0xA;
	s2 =	sadd.s32 s3, s2  }
0x8d: {  	s2 =	sadd.s32 s2, s18  }
0x8e: {  	[smem:$0x3FC7] =	sst s2  }
0x8f: {  	_ = 	snop  }
0x90: {  	s2 =	sld [smem:$0x3FC9]  }
0x91: {  	s19 =	sld [smem:$0x3FD0];
	(tm) =	ssettm $0x1  }
0x92: {  	s4 =	sld [smem:$0x3FFB];
	_ =	sdelay $0x3  }
0x93: {  	_ =	strace s4  }
0x94: {  	s4 =	sld [smem:$0x3FFC];
	_ =	sdelay $0x3  }
0x95: {  	_ =	strace s4  }
0x96: {  	s4 =	sld [smem:$0x3FFD];
	_ =	sdelay $0x3  }
0x97: {  	_ =	strace s4  }
0x98: {  	_ =	strace $0x8FFFFFFF  }
0x99: {  	s20 =	sld [smem:$0x3FDB];
	_ =	sdelay $0x1  }
0x9a: {  	s5 =	simm.s32 $_scs_section_size  }
0x9b: {  	s6 =	simm.s32 $_size__tile_overlayer_lowered;
	s7 =	simm.s32 $_tile_overlayer_lowered  }
0x9c: {  	s23 =	simm.s32 $0x1BFF;
	s22 =	sshll.u32 s7, $0x1;
	s4 =	sadd.s32 s5, s20  }
0x9d: {  	s8 =	simm.s32 $0x0;
	s21 =	sshll.u32 s6, $0x1;
	s6 =	sadd.s32 s22, s4  }
0x9e: {  	[timem:s8], [sflag:s23] =	dma.local [hbm:s6], s21  }
0x9f: {  	_ =	swait.ge [sflag:s23], s21  }
0xa0: {  	s5 =	ssub.s32 $0x0, s21;
	[sflag:s23] =	ssyncset.done $0x0  }
0xa1: {  	[sflag:s23] =	ssyncadd.s32 s5;
	_ =	sdelay $0x1  }
0xa2: {  	s24 =	simm.s32 $0x1B8B  }
0xa3: {  	_ =	swait.ge [sflag:s24], $0x1  }
0xa4: {  	[sflag:s24] =	ssyncset.done $0x0  }
0xa5: {  	s25 =	simm.s32 $0x1B8E;
	[sflag:s24] =	ssyncadd.s32 $0xFFFFFFFF  }
0xa6: {  	s26 =	simm.s32 $execute0_lowered;
	[smem:$0x3FD2] =	sst s25  }
0xa7: {  	s5 =	sshll.u32 s26, $0x1;
	_ =	strace $0x80000046;
	[dreg:$0x1] =	wrdreg $0xFFFFFFFF  }
0xa8: {  	s28 =	simm.s32 $_size_execute0_lowered;
	s4 =	sadd.s32 s4, s5;
	[dreg:$0x0] =	wrdreg $0x0  }
0xa9: {  	s5 =	sshll.u32 s28, $0x1;
	[dreg:$0x2] =	wrdreg s4  }
0xaa: {  	[dreg:$0x3] =	wrdreg s5  }
0xab: {  	[dreg:$0x4] =	wrdreg $0xC0  }
0xac: {  	_ =	task [dreg:s8], $0x5FFFF  }
0xad: {  	[dreg:$0x1] =	wrdreg $0xFFFFFFFF  }
0xae: {  	[dreg:$0x0] =	wrdreg $0x60  }
0xaf: {  	[dreg:$0x2] =	wrdreg s2  }
0xb0: {  	[dreg:$0x3] =	wrdreg s19  }
0xb1: {  	[dreg:$0x4] =	wrdreg $0x9  }
0xb2: {  	_ =	task.clear_ibuf [dreg:s8], $0x5FFFF;
	_ =	strace $0x90000046  }
0xb3: {  	s29 =	simm.s32 $0x9;
	_ =	strace $0x80000048  }
0xb4: {  	_ =	swait.ge [sflag:s29], $0x1  }
0xb5: {  	[sflag:s29] =	ssyncadd.s32 $0xFFFFFFFF  }
0xb6: {  	_ =	strace $0x90000048  }
0xb7: {  	_ =	sfence  }
0xb8: {  	s30 =	sld [smem:$0x0];
	_ =	sdelay $0x2  }
0xb9: {  	s31 =	sshll.u32 s1, $0xD;
	s1 =	sshrl.u32 s1, $0x2  }
0xba: {  	s3 =	sand.u32 $0x4000, s31;
	s1 =	sadd.s32 s1, s30  }
0xbb: {  	s0 =	sor.u32 s3, s0;
	s1 =	sshll.u32 s1, $0x11  }
0xbc: {  	s0 =	sor.u32 s1, s0  }
0xbd: {  	s0 =	sadd.s32 $0x8F2B, s0  }
0xbe: {  	[sflag:s0] =	ssyncadd.remote.s32 $0x1  }
0xbf: {  	_ =	sfence.sel $0xFFFF  }
0xc0: {  	[dreg:$0x0] =	wrdreg $0xFFFFFFFF;
	(pc) =	sbr.abs _section_cstart, $3  }
0xc1: {  	[dreg:$0x1] =	wrdreg $0xFFFFFFFF  }
0xc2: {  	_ =	task.clear_ibuf [dreg:s8], $0x2FFFF;
	_ =	strace $0x9FFFFFFF  }
0xc3: {  	(tm) =	ssettm $0x7FFFFFFF  }
tec
execute0_lowered:
.L_overlay_start_1:
0x0: {  	(tag) =	ssettag $0x1  }
0x1: {  	s7 =	rddreg [dreg:$0x0]  }
0x2: {  	s2 =	rddreg [dreg:$0x1]  }
0x3: {  	s0 =	rddreg [dreg:$0x2];
	s4 =	srdreg.scid;
	s3 =	simm.s32 $0x0  }
0x4: {  	s1 =	stileid.u32;
	s11 =	simm.s32 $0x400;
	s12 =	simm.s32 $0x2000  }
0x5: {  	s13 =	simm.s32 $0x1800;
	s14 =	simm.s32 $0x1;
	s15 =	simm.s32 $0x1C00  }
0x6: {  	s16 =	simm.s32 $0x2;
	s17 =	simm.s32 $0x8000;
	s18 =	simm.s32 $0x3  }
0x7: {  	s19 =	simm.s32 $0x0;
	s4 =	sand.u32 $0x1, s4;
	[smem:$0x7FF] =	sst s3  }
0x8: {  	s6 =	sshll.u32 s1, $0x1;
	p0 =	slt.u32 s1, $0x8;
	s5 =	ssub.s32 $0x2, s4  }
.Ltmp0:
0x9: {  	_ =	strace $0x80000047;
	s6 =	sand.u32 $0x6, s6;
	(pc) =	sbr.rel .LBB2_1-.Ltmp0, $4  }
0xa: {  	v0 =	vlaneseq.u32;
	s8 =	sshrl.u32 s5, $0x1;
	s6 =	sor.u32 s4, s6;
	s4 =	sshrl.u32 s1, $0x2  }
0xb: {  	v1 =	vimm.f32 $0.0e+00;
	v2 =	vimm.f32 $1.000000000e+00;
	v3 =	vor.u32 $0x10, v0;
	s10 =	ssub.s32 s5, s8;
	s5 =	simm.s32 $0x41;
	s31 =	sshll.u32 s6, $0x7  }
0xc: {  	v4 =	vor.u32 $0x20, v0;
	v5 =	vor.u32 $0x30, v0;
	v6 =	vor.u32 $0x40, v0;
	s6 =	sshll.u32 s6, $0xA;
	s9 =	sshll.u32 s4, $0x7;
	s7 =	sadd.s32 s7, s31  }
0xd: {  	v7 =	vor.u32 $0x50, v0;
	v8 =	vor.u32 $0x60, v0;
	v9 =	vor.u32 $0x70, v0;
	s5 =	simm.s32 @!p0 $0x3C;
	s10 =	smax.u32 s10, $0x1;
	s8 =	sadd.s32 $0x1800, s7  }
.LBB2_13:
0xe: {  	s19 =	sadd.s32 $0x1, s19  }
0xf: {  	_ =	swait.ge [sflag:s16], $0x6400;
	p0 =	sne.s32 s19, s10  }
.Ltmp1:
0x10: {  	[sflag:s16] =	ssyncset.done $0x0;
	(pc) =	sbr.rel @!p0 .LBB2_14-.Ltmp1, $4  }
0x11: {  	[sflag:s16] =	ssyncadd.s32 $0xFFFF9C00  }
0x12: {  	_ =	swait.ge [sflag:s18], $0x6400  }
0x13: {  	[sflag:s18] =	ssyncset.done $0x0  }
0x14: {  	[sflag:s18] =	ssyncadd.s32 $0xFFFF9C00  }
.LBB2_1:
0x15: {  	[tilespmem:s3], [sflag:$0x1] =	stream.strided.gather [hbm4b:s7+s11], $0x1800, s12, s11, $0x38;
	[tilespmem:$0xE400] =	vst v63  }
0x16: {  	s20 =	simm.s32 $0x0;
	s21 =	simm.s32 $0x200  }
0x17: {  	[tilespmem:s13], [sflag:$0x1] =	stream.linear.gather [hbm4b:s8+s3], $0x100, $0x38;
	[tilespmem:$0xE400] =	vst v63  }
.LBB2_2:
0x18: {  	p0 =	sne.s32 s21, $0x18E00;
	[tilespmem:s20+$0x8070] =	vst v1  }
0x19: {  	[tilespmem:s20+$0x1C00] =	vst v1  }
0x1a: {  	[tilespmem:s20+$0x1C10] =	vst v1  }
0x1b: {  	[tilespmem:s20+$0x1C20] =	vst v1  }
0x1c: {  	[tilespmem:s20+$0x1C30] =	vst v1  }
0x1d: {  	[tilespmem:s20+$0x1C40] =	vst v1  }
0x1e: {  	[tilespmem:s20+$0x1C50] =	vst v1  }
0x1f: {  	[tilespmem:s20+$0x1C60] =	vst v1  }
0x20: {  	[tilespmem:s20+$0x1C70] =	vst v1  }
0x21: {  	[tilespmem:s20+$0x8000] =	vst v1  }
0x22: {  	[tilespmem:s20+$0x8010] =	vst v1  }
.Ltmp2:
0x23: {  	[tilespmem:s20+$0x8020] =	vst v1;
	(pc) =	sbr.rel @p0 .LBB2_2-.Ltmp2, $4  }
0x24: {  	[tilespmem:s20+$0x8030] =	vst v1  }
0x25: {  	[tilespmem:s20+$0x8040] =	vst v1  }
0x26: {  	[tilespmem:s20+$0x8050] =	vst v1  }
0x27: {  	[tilespmem:s20+$0x8060] =	vst v1;
	s20 =	sshra.s32 s21, $0x2;
	s21 =	sadd.s32 $0x200, s21  }
0x28: {  	[tilespmem:s20+$0x8070] =	vst v1  }
0x29: {  	[tilespmem:s20+$0x1C00] =	vst v1  }
0x2a: {  	[tilespmem:s20+$0x1C10] =	vst v1  }
0x2b: {  	[tilespmem:s20+$0x1C20] =	vst v1  }
0x2c: {  	[tilespmem:s20+$0x1C30] =	vst v1  }
0x2d: {  	[tilespmem:s20+$0x1C40] =	vst v1  }
0x2e: {  	[tilespmem:s20+$0x1C50] =	vst v1  }
0x2f: {  	[tilespmem:s20+$0x1C60] =	vst v1  }
0x30: {  	[tilespmem:s20+$0x1C70] =	vst v1  }
0x31: {  	[tilespmem:s20+$0x8000] =	vst v1  }
0x32: {  	[tilespmem:s20+$0x8010] =	vst v1  }
0x33: {  	[tilespmem:s20+$0x8020] =	vst v1  }
0x34: {  	[tilespmem:s20+$0x8030] =	vst v1  }
0x35: {  	[tilespmem:s20+$0x8040] =	vst v1  }
.Ltmp3:
0x36: {  	[tilespmem:s20+$0x8050] =	vst v1;
	(pc) =	sbr.rel .LBB2_4-.Ltmp3, $4  }
0x37: {  	[tilespmem:s20+$0x8060] =	vst v1  }
0x38: {  	_ =	swait.ge [sflag:s14], $0x1900  }
0x39: {  	s20 =	simm.s32 $0x0;
	s21 =	simm.s32 $0xFFFFFFFE;
	[sflag:s14] =	ssyncset.done $0x0  }
0x3a: {  	s22 =	simm.s32 $0xFFFFFFFF;
	s23 =	simm.s32 $0x0;
	[sflag:s14] =	ssyncadd.s32 $0xFFFFE700  }
.LBB2_11:
0x3b: {  	s25 =	smul.u32 $0xCD, s24;
	_ =	sdelay $0x1  }
0x3c: {  	s25 =	sshrl.u32 s25, $0x8  }
0x3d: {  	s25 =	sand.u32 $0xFC, s25  }
0x3e: {  	s26 =	sshrl.u32 s25, $0x2  }
0x3f: {  	s25 =	sor.u32 s25, s4;
	s26 =	smul.u32 $0x5, s26  }
0x40: {  	s28 =	sshll.u32 s25, $0x7  }
0x41: {  	v10 =	vld [tilespmem:s28+$0x0];
	s30 =	ssub.s32 s24, s26  }
0x42: {  	s24 =	sand.u32 $0xFF, s30  }
0x43: {  	s31 =	smul.u32 $0xC8, s24;
	_ =	sdelay $0x1  }
0x44: {  	v11 =	vmov s31;
	s29 =	sadd.s32 $0xC8, s31  }
0x45: {  	vm0 =	vge.s32 v10, s31;
	vm1 =	vlt.s32 v10, s29;
	v10 =	vsub.s32 v10, v11  }
0x46: {  	vm0 =	vmand vm0, vm1;
	v10 =	vshll.u32 v10, $0x7  }
0x47: {  	v10 =	vor.u32 v0, v10;
	_ =	sdelay $0x4  }
0x48: {  	[tilespmem:v10+s17+$0x0] =	vst.idx.msk vm0, v2  }
0x49: {  	v10 =	vld [tilespmem:s28+$0x10];
	_ =	sdelay $0x4  }
0x4a: {  	vm14 =	vge.s32 v10, s31;
	vm15 =	vlt.s32 v10, s29;
	v10 =	vsub.s32 v10, v11  }
0x4b: {  	vm0 =	vmand vm14, vm15;
	v10 =	vshll.u32 v10, $0x7  }
0x4c: {  	v10 =	vor.u32 v3, v10;
	_ =	sdelay $0x4  }
0x4d: {  	[tilespmem:v10+s17+$0x0] =	vst.idx.msk vm0, v2  }
0x4e: {  	v10 =	vld [tilespmem:s28+$0x20];
	_ =	sdelay $0x4  }
0x4f: {  	vm4 =	vge.s32 v10, s31;
	vm5 =	vlt.s32 v10, s29;
	v10 =	vsub.s32 v10, v11  }
0x50: {  	vm0 =	vmand vm4, vm5;
	v10 =	vshll.u32 v10, $0x7  }
0x51: {  	v10 =	vor.u32 v4, v10;
	_ =	sdelay $0x4  }
0x52: {  	[tilespmem:v10+s17+$0x0] =	vst.idx.msk vm0, v2  }
0x53: {  	v10 =	vld [tilespmem:s28+$0x30];
	_ =	sdelay $0x4  }
0x54: {  	vm6 =	vge.s32 v10, s31;
	vm7 =	vlt.s32 v10, s29;
	v10 =	vsub.s32 v10, v11  }
0x55: {  	vm0 =	vmand vm6, vm7;
	v10 =	vshll.u32 v10, $0x7  }
0x56: {  	v10 =	vor.u32 v5, v10;
	_ =	sdelay $0x4  }
0x57: {  	[tilespmem:v10+s17+$0x0] =	vst.idx.msk vm0, v2  }
0x58: {  	v10 =	vld [tilespmem:s28+$0x40];
	_ =	sdelay $0x4  }
0x59: {  	vm8 =	vge.s32 v10, s31;
	vm9 =	vlt.s32 v10, s29;
	v10 =	vsub.s32 v10, v11  }
0x5a: {  	vm0 =	vmand vm8, vm9;
	v10 =	vshll.u32 v10, $0x7  }
0x5b: {  	v10 =	vor.u32 v6, v10;
	_ =	sdelay $0x4  }
0x5c: {  	[tilespmem:v10+s17+$0x0] =	vst.idx.msk vm0, v2  }
0x5d: {  	v10 =	vld [tilespmem:s28+$0x50];
	_ =	sdelay $0x4  }
0x5e: {  	vm10 =	vge.s32 v10, s31;
	vm11 =	vlt.s32 v10, s29;
	v10 =	vsub.s32 v10, v11  }
0x5f: {  	vm0 =	vmand vm10, vm11;
	v10 =	vshll.u32 v10, $0x7  }
0x60: {  	v10 =	vor.u32 v7, v10;
	_ =	sdelay $0x4  }
0x61: {  	[tilespmem:v10+s17+$0x0] =	vst.idx.msk vm0, v2  }
0x62: {  	v10 =	vld [tilespmem:s28+$0x60];
	_ =	sdelay $0x4  }
0x63: {  	vm12 =	vge.s32 v10, s31;
	vm13 =	vlt.s32 v10, s29;
	v10 =	vsub.s32 v10, v11  }
0x64: {  	vm0 =	vmand vm12, vm13;
	v10 =	vshll.u32 v10, $0x7  }
0x65: {  	v10 =	vor.u32 v8, v10;
	_ =	sdelay $0x4  }
0x66: {  	[tilespmem:v10+s17+$0x0] =	vst.idx.msk vm0, v2  }
0x67: {  	v10 =	vld [tilespmem:s28+$0x70];
	_ =	sdelay $0x4  }
0x68: {  	vm14 =	vge.s32 v10, s31;
	vm15 =	vlt.s32 v10, s29;
	v10 =	vsub.s32 v10, v11  }
0x69: {  	vm0 =	vmand vm14, vm15;
	v10 =	vshll.u32 v10, $0x7  }
0x6a: {  	v10 =	vor.u32 v9, v10  }
0x6b: {  	s24 =	smul.u32 $0x32000, s24  }
0x6c: {  	s25 =	smul.u32 $0x1F400, s25  }
0x6d: {  	s24 =	sor.u32 s6, s24  }
0x6e: {  	s25 =	sadd.s32 s2, s25;
	s24 =	sshrl.u32 s24, $0x3  }
0x6f: {  	s24 =	sadd.s32 s24, s25;
	[tilespmem:v10+s17+$0x0] =	vst.idx.msk vm0, v2  }
0x70: {  	[hbm4b:s24+s11] =	stream.strided.scatter [tilespmem:s17], [sflag:$0x3], $0x6400, s12, s11, $0x38;
	[tilespmem:$0xE400] =	vst v63  }
.LBB2_12:
0x71: {  	s23 =	sadd.s32 $0x2, s23  }
0x72: {  	p0 =	sne.s32 s23, $0x42  }
.Ltmp4:
0x73: {  	_ = 	snop;
	(pc) =	sbr.rel @!p0 .LBB2_13-.Ltmp4, $2  }
0x74: {  	_ =	sdelay $0x2  }
0x75: {  	s20 =	sadd.s32 $0x190, s20;
	s21 =	sadd.s32 $0x2, s21;
	s22 =	sadd.s32 $0x2, s22  }
.LBB2_4:
0x76: {  	p1 =	sge.u32 s23, s5  }
.Ltmp5:
0x77: {  	_ = 	snop;
	(pc) =	sbr.rel @p1 .LBB2_8-.Ltmp5, $2  }
0x78: {  	_ =	sdelay $0x2  }
0x79: {  	p0 =	seq.s32 s23, $0x0  }
.Ltmp6:
0x7a: {  	(pc) =	sbr.rel @p0 .LBB2_7-.Ltmp6, $1  }
0x7b: {  	_ =	sdelay $0x3  }
0x7c: {  	s24 =	sadd.s32 $0xFFFFFFFE, s23  }
0x7d: {  	s24 =	smulhi.u32 $0xCCCCCCCD, s24;
	_ =	sdelay $0x1  }
0x7e: {  	s24 =	sshll.u32 s24, $0x9  }
0x7f: {  	s25 =	smulhi.u32 $0xCCCCCCCD, s21;
	_ =	swait.ge [sflag:s16], $0x6400;
	s24 =	sshra.s32 s24, $0x2  }
0x80: {  	[sflag:s16] =	ssyncset.done $0x0;
	s24 =	sand.u32 $0xFFFFFE00, s24  }
0x81: {  	s25 =	sshrl.u32 s25, $0x2;
	[sflag:s16] =	ssyncadd.s32 $0xFFFF9C00;
	s24 =	sor.u32 s24, s9  }
0x82: {  	s25 =	smul.u32 $0x3E8, s25;
	v10 =	vld [tilespmem:s24+$0x0];
	_ =	sdelay $0x1  }
0x83: {  	s25 =	ssub.s32 s20, s25  }
0x84: {  	s26 =	sadd.s32 $0xFFFFFE70, s25  }
0x85: {  	s25 =	sadd.s32 $0xFFFFFF38, s25;
	v11 =	vmov s26  }
0x86: {  	vm0 =	vge.s32 v10, s26;
	vm1 =	vlt.s32 v10, s25;
	v10 =	vsub.s32 v10, v11  }
0x87: {  	vm0 =	vmand vm0, vm1;
	v10 =	vshll.u32 v10, $0x7  }
0x88: {  	v10 =	vor.u32 v0, v10;
	_ =	sdelay $0x4  }
0x89: {  	[tilespmem:v10+s15+$0x0] =	vst.idx.msk vm0, v1  }
0x8a: {  	v10 =	vld [tilespmem:s24+$0x10];
	_ =	sdelay $0x4  }
0x8b: {  	vm14 =	vge.s32 v10, s26;
	vm15 =	vlt.s32 v10, s25;
	v10 =	vsub.s32 v10, v11  }
0x8c: {  	vm0 =	vmand vm14, vm15;
	v10 =	vshll.u32 v10, $0x7  }
0x8d: {  	v10 =	vor.u32 v3, v10;
	_ =	sdelay $0x4  }
0x8e: {  	[tilespmem:v10+s15+$0x0] =	vst.idx.msk vm0, v1  }
0x8f: {  	v10 =	vld [tilespmem:s24+$0x20];
	_ =	sdelay $0x4  }
0x90: {  	vm4 =	vge.s32 v10, s26;
	vm5 =	vlt.s32 v10, s25;
	v10 =	vsub.s32 v10, v11  }
0x91: {  	vm0 =	vmand vm4, vm5;
	v10 =	vshll.u32 v10, $0x7  }
0x92: {  	v10 =	vor.u32 v4, v10;
	_ =	sdelay $0x4  }
0x93: {  	[tilespmem:v10+s15+$0x0] =	vst.idx.msk vm0, v1  }
0x94: {  	v10 =	vld [tilespmem:s24+$0x30];
	_ =	sdelay $0x4  }
0x95: {  	vm6 =	vge.s32 v10, s26;
	vm7 =	vlt.s32 v10, s25;
	v10 =	vsub.s32 v10, v11  }
0x96: {  	vm0 =	vmand vm6, vm7;
	v10 =	vshll.u32 v10, $0x7  }
0x97: {  	v10 =	vor.u32 v5, v10;
	_ =	sdelay $0x4  }
0x98: {  	[tilespmem:v10+s15+$0x0] =	vst.idx.msk vm0, v1  }
0x99: {  	v10 =	vld [tilespmem:s24+$0x40];
	_ =	sdelay $0x4  }
0x9a: {  	vm8 =	vge.s32 v10, s26;
	vm9 =	vlt.s32 v10, s25;
	v10 =	vsub.s32 v10, v11  }
0x9b: {  	vm0 =	vmand vm8, vm9;
	v10 =	vshll.u32 v10, $0x7  }
0x9c: {  	v10 =	vor.u32 v6, v10;
	_ =	sdelay $0x4  }
0x9d: {  	[tilespmem:v10+s15+$0x0] =	vst.idx.msk vm0, v1  }
0x9e: {  	v10 =	vld [tilespmem:s24+$0x50];
	_ =	sdelay $0x4  }
0x9f: {  	vm10 =	vge.s32 v10, s26;
	vm11 =	vlt.s32 v10, s25;
	v10 =	vsub.s32 v10, v11  }
0xa0: {  	vm0 =	vmand vm10, vm11;
	v10 =	vshll.u32 v10, $0x7  }
0xa1: {  	v10 =	vor.u32 v7, v10;
	_ =	sdelay $0x4  }
0xa2: {  	[tilespmem:v10+s15+$0x0] =	vst.idx.msk vm0, v1  }
0xa3: {  	v10 =	vld [tilespmem:s24+$0x60];
	_ =	sdelay $0x4  }
0xa4: {  	vm12 =	vge.s32 v10, s26;
	vm13 =	vlt.s32 v10, s25;
	v10 =	vsub.s32 v10, v11  }
0xa5: {  	vm0 =	vmand vm12, vm13;
	v10 =	vshll.u32 v10, $0x7  }
0xa6: {  	v10 =	vor.u32 v8, v10;
	_ =	sdelay $0x4  }
0xa7: {  	[tilespmem:v10+s15+$0x0] =	vst.idx.msk vm0, v1  }
0xa8: {  	v10 =	vld [tilespmem:s24+$0x70];
	_ =	sdelay $0x4  }
0xa9: {  	vm14 =	vge.s32 v10, s26;
	vm15 =	vlt.s32 v10, s25;
	v10 =	vsub.s32 v10, v11  }
0xaa: {  	vm0 =	vmand vm14, vm15;
	v10 =	vshll.u32 v10, $0x7  }
0xab: {  	v10 =	vor.u32 v9, v10;
	_ =	sdelay $0x4  }
0xac: {  	[tilespmem:v10+s15+$0x0] =	vst.idx.msk vm0, v1  }
.LBB2_7:
0xad: {  	s24 =	smul.u32 $0xCD, s23;
	_ =	sdelay $0x1  }
0xae: {  	s24 =	sshrl.u32 s24, $0x8  }
0xaf: {  	s24 =	sand.u32 $0xFC, s24  }
0xb0: {  	s25 =	sshrl.u32 s24, $0x2  }
0xb1: {  	s24 =	sor.u32 s24, s4;
	s25 =	smul.u32 $0x5, s25  }
0xb2: {  	s26 =	sshll.u32 s24, $0x7  }
0xb3: {  	v10 =	vld [tilespmem:s26+$0x0];
	s25 =	ssub.s32 s23, s25  }
0xb4: {  	s25 =	sand.u32 $0xFF, s25  }
0xb5: {  	s28 =	smul.u32 $0xC8, s25;
	_ =	sdelay $0x1  }
0xb6: {  	v11 =	vmov s28;
	s29 =	sadd.s32 $0xC8, s28  }
0xb7: {  	vm0 =	vge.s32 v10, s28;
	vm1 =	vlt.s32 v10, s29;
	v10 =	vsub.s32 v10, v11  }
0xb8: {  	vm0 =	vmand vm0, vm1;
	v10 =	vshll.u32 v10, $0x7  }
0xb9: {  	v10 =	vor.u32 v0, v10;
	_ =	sdelay $0x4  }
0xba: {  	[tilespmem:v10+s15+$0x0] =	vst.idx.msk vm0, v2  }
0xbb: {  	v10 =	vld [tilespmem:s26+$0x10];
	_ =	sdelay $0x4  }
0xbc: {  	vm14 =	vge.s32 v10, s28;
	vm15 =	vlt.s32 v10, s29;
	v10 =	vsub.s32 v10, v11  }
0xbd: {  	vm0 =	vmand vm14, vm15;
	v10 =	vshll.u32 v10, $0x7  }
0xbe: {  	v10 =	vor.u32 v3, v10;
	_ =	sdelay $0x4  }
0xbf: {  	[tilespmem:v10+s15+$0x0] =	vst.idx.msk vm0, v2  }
0xc0: {  	v10 =	vld [tilespmem:s26+$0x20];
	_ =	sdelay $0x4  }
0xc1: {  	vm4 =	vge.s32 v10, s28;
	vm5 =	vlt.s32 v10, s29;
	v10 =	vsub.s32 v10, v11  }
0xc2: {  	vm0 =	vmand vm4, vm5;
	v10 =	vshll.u32 v10, $0x7  }
0xc3: {  	v10 =	vor.u32 v4, v10;
	_ =	sdelay $0x4  }
0xc4: {  	[tilespmem:v10+s15+$0x0] =	vst.idx.msk vm0, v2  }
0xc5: {  	v10 =	vld [tilespmem:s26+$0x30];
	_ =	sdelay $0x4  }
0xc6: {  	vm6 =	vge.s32 v10, s28;
	vm7 =	vlt.s32 v10, s29;
	v10 =	vsub.s32 v10, v11  }
0xc7: {  	vm0 =	vmand vm6, vm7;
	v10 =	vshll.u32 v10, $0x7  }
0xc8: {  	v10 =	vor.u32 v5, v10;
	_ =	sdelay $0x4  }
0xc9: {  	[tilespmem:v10+s15+$0x0] =	vst.idx.msk vm0, v2  }
0xca: {  	v10 =	vld [tilespmem:s26+$0x40];
	_ =	sdelay $0x4  }
0xcb: {  	vm8 =	vge.s32 v10, s28;
	vm9 =	vlt.s32 v10, s29;
	v10 =	vsub.s32 v10, v11  }
0xcc: {  	vm0 =	vmand vm8, vm9;
	v10 =	vshll.u32 v10, $0x7  }
0xcd: {  	v10 =	vor.u32 v6, v10;
	_ =	sdelay $0x4  }
0xce: {  	[tilespmem:v10+s15+$0x0] =	vst.idx.msk vm0, v2  }
0xcf: {  	v10 =	vld [tilespmem:s26+$0x50];
	_ =	sdelay $0x4  }
0xd0: {  	vm10 =	vge.s32 v10, s28;
	vm11 =	vlt.s32 v10, s29;
	v10 =	vsub.s32 v10, v11  }
0xd1: {  	vm0 =	vmand vm10, vm11;
	v10 =	vshll.u32 v10, $0x7  }
0xd2: {  	v10 =	vor.u32 v7, v10;
	_ =	sdelay $0x4  }
0xd3: {  	[tilespmem:v10+s15+$0x0] =	vst.idx.msk vm0, v2  }
0xd4: {  	v10 =	vld [tilespmem:s26+$0x60];
	_ =	sdelay $0x4  }
0xd5: {  	vm12 =	vge.s32 v10, s28;
	vm13 =	vlt.s32 v10, s29;
	v10 =	vsub.s32 v10, v11  }
0xd6: {  	vm0 =	vmand vm12, vm13;
	v10 =	vshll.u32 v10, $0x7  }
0xd7: {  	v10 =	vor.u32 v8, v10;
	_ =	sdelay $0x4  }
0xd8: {  	[tilespmem:v10+s15+$0x0] =	vst.idx.msk vm0, v2  }
0xd9: {  	v10 =	vld [tilespmem:s26+$0x70];
	_ =	sdelay $0x4  }
0xda: {  	vm14 =	vge.s32 v10, s28;
	vm15 =	vlt.s32 v10, s29;
	v10 =	vsub.s32 v10, v11  }
0xdb: {  	vm0 =	vmand vm14, vm15;
	v10 =	vshll.u32 v10, $0x7  }
0xdc: {  	v10 =	vor.u32 v9, v10  }
0xdd: {  	s25 =	smul.u32 $0x32000, s25  }
0xde: {  	s24 =	smul.u32 $0x1F400, s24  }
0xdf: {  	s25 =	sor.u32 s6, s25  }
0xe0: {  	s24 =	sadd.s32 s2, s24;
	s25 =	sshrl.u32 s25, $0x3  }
0xe1: {  	s24 =	sadd.s32 s25, s24;
	[tilespmem:v10+s15+$0x0] =	vst.idx.msk vm0, v2  }
0xe2: {  	[hbm4b:s24+s11] =	stream.strided.scatter [tilespmem:s15], [sflag:$0x2], $0x6400, s12, s11, $0x38;
	[tilespmem:$0xE400] =	vst v63  }
.LBB2_8:
0xe3: {  	s24 =	sadd.s32 $0x1, s23  }
0xe4: {  	p1 =	sge.u32 s24, s5  }
.Ltmp7:
0xe5: {  	_ = 	snop;
	(pc) =	sbr.rel @p1 .LBB2_12-.Ltmp7, $1  }
0xe6: {  	_ =	sdelay $0x3  }
.Ltmp8:
0xe7: {  	(pc) =	sbr.rel @p0 .LBB2_11-.Ltmp8, $1  }
0xe8: {  	_ =	sdelay $0x3  }
0xe9: {  	s25 =	sadd.s32 $0xFFFFFFFF, s23  }
0xea: {  	s25 =	smulhi.u32 $0xCCCCCCCD, s25;
	_ =	sdelay $0x1  }
0xeb: {  	s25 =	sshll.u32 s25, $0x9  }
0xec: {  	s26 =	smulhi.u32 $0xCCCCCCCD, s22;
	_ =	swait.ge [sflag:s18], $0x6400;
	s25 =	sshra.s32 s25, $0x2  }
0xed: {  	[sflag:s18] =	ssyncset.done $0x0;
	s25 =	sand.u32 $0xFFFFFE00, s25  }
0xee: {  	s26 =	sshrl.u32 s26, $0x2;
	[sflag:s18] =	ssyncadd.s32 $0xFFFF9C00;
	s25 =	sor.u32 s25, s9  }
0xef: {  	s26 =	smul.u32 $0x3E8, s26;
	v10 =	vld [tilespmem:s25+$0x0];
	_ =	sdelay $0x1  }
0xf0: {  	s26 =	ssub.s32 s20, s26  }
0xf1: {  	s28 =	sadd.s32 $0xFFFFFF38, s26  }
0xf2: {  	v11 =	vmov s28  }
0xf3: {  	vm0 =	vge.s32 v10, s28;
	vm1 =	vlt.s32 v10, s26;
	v10 =	vsub.s32 v10, v11  }
0xf4: {  	vm0 =	vmand vm0, vm1;
	v10 =	vshll.u32 v10, $0x7  }
0xf5: {  	v10 =	vor.u32 v0, v10;
	_ =	sdelay $0x4  }
0xf6: {  	[tilespmem:v10+s17+$0x0] =	vst.idx.msk vm0, v1  }
0xf7: {  	v10 =	vld [tilespmem:s25+$0x10];
	_ =	sdelay $0x4  }
0xf8: {  	vm14 =	vge.s32 v10, s28;
	vm15 =	vlt.s32 v10, s26;
	v10 =	vsub.s32 v10, v11  }
0xf9: {  	vm0 =	vmand vm14, vm15;
	v10 =	vshll.u32 v10, $0x7  }
0xfa: {  	v10 =	vor.u32 v3, v10;
	_ =	sdelay $0x4  }
0xfb: {  	[tilespmem:v10+s17+$0x0] =	vst.idx.msk vm0, v1  }
0xfc: {  	v10 =	vld [tilespmem:s25+$0x20];
	_ =	sdelay $0x4  }
0xfd: {  	vm4 =	vge.s32 v10, s28;
	vm5 =	vlt.s32 v10, s26;
	v10 =	vsub.s32 v10, v11  }
0xfe: {  	vm0 =	vmand vm4, vm5;
	v10 =	vshll.u32 v10, $0x7  }
0xff: {  	v10 =	vor.u32 v4, v10;
	_ =	sdelay $0x4  }
0x100: {  	[tilespmem:v10+s17+$0x0] =	vst.idx.msk vm0, v1  }
0x101: {  	v10 =	vld [tilespmem:s25+$0x30];
	_ =	sdelay $0x4  }
0x102: {  	vm6 =	vge.s32 v10, s28;
	vm7 =	vlt.s32 v10, s26;
	v10 =	vsub.s32 v10, v11  }
0x103: {  	vm0 =	vmand vm6, vm7;
	v10 =	vshll.u32 v10, $0x7  }
0x104: {  	v10 =	vor.u32 v5, v10;
	_ =	sdelay $0x4  }
0x105: {  	[tilespmem:v10+s17+$0x0] =	vst.idx.msk vm0, v1  }
0x106: {  	v10 =	vld [tilespmem:s25+$0x40];
	_ =	sdelay $0x4  }
0x107: {  	vm8 =	vge.s32 v10, s28;
	vm9 =	vlt.s32 v10, s26;
	v10 =	vsub.s32 v10, v11  }
0x108: {  	vm0 =	vmand vm8, vm9;
	v10 =	vshll.u32 v10, $0x7  }
0x109: {  	v10 =	vor.u32 v6, v10;
	_ =	sdelay $0x4  }
0x10a: {  	[tilespmem:v10+s17+$0x0] =	vst.idx.msk vm0, v1  }
0x10b: {  	v10 =	vld [tilespmem:s25+$0x50];
	_ =	sdelay $0x4  }
0x10c: {  	vm10 =	vge.s32 v10, s28;
	vm11 =	vlt.s32 v10, s26;
	v10 =	vsub.s32 v10, v11  }
0x10d: {  	vm0 =	vmand vm10, vm11;
	v10 =	vshll.u32 v10, $0x7  }
0x10e: {  	v10 =	vor.u32 v7, v10;
	_ =	sdelay $0x4  }
0x10f: {  	[tilespmem:v10+s17+$0x0] =	vst.idx.msk vm0, v1  }
0x110: {  	v10 =	vld [tilespmem:s25+$0x60];
	_ =	sdelay $0x4  }
0x111: {  	vm12 =	vge.s32 v10, s28;
	vm13 =	vlt.s32 v10, s26;
	v10 =	vsub.s32 v10, v11  }
0x112: {  	vm0 =	vmand vm12, vm13;
	v10 =	vshll.u32 v10, $0x7  }
0x113: {  	v10 =	vor.u32 v8, v10;
	_ =	sdelay $0x4  }
0x114: {  	[tilespmem:v10+s17+$0x0] =	vst.idx.msk vm0, v1  }
0x115: {  	v10 =	vld [tilespmem:s25+$0x70];
	_ =	sdelay $0x4  }
0x116: {  	vm14 =	vge.s32 v10, s28;
	vm15 =	vlt.s32 v10, s26;
	v10 =	vsub.s32 v10, v11  }
0x117: {  	vm0 =	vmand vm14, vm15;
	v10 =	vshll.u32 v10, $0x7  }
0x118: {  	v10 =	vor.u32 v9, v10  }
.Ltmp9:
0x119: {  	_ = 	snop;
	(pc) =	sbr.rel .LBB2_11-.Ltmp9, $2  }
0x11a: {  	_ =	sdelay $0x2  }
0x11b: {  	[tilespmem:v10+s17+$0x0] =	vst.idx.msk vm0, v1  }
.LBB2_14:
0x11c: {  	_ =	sfence.sel $0x180000  }
0x11d: {  	[bflag:$0x0] =	sbarrier.arrive $0xFFFF  }
0x11e: {  	p0 =	sne.s32 s1, $0x0;
	_ =	strace $0x90000047  }
0x11f: {  	s0 =	sadd.s32 @!p0 $0x100000, s0;
	[bflag:$0x2] =	sbarrier.arrive $0xFFFF  }
0x120: {  	[sflag:s0] =	ssyncadd.tile.s32 @!p0 $0x1;
	_ =	shalt  }
.Lfunc_end2:
_tile_overlayer_lowered:
.L_overlay_start_2:
0x121: {  	(tag) =	ssettag $0x2  }
0x122: {  	s0 =	rddreg [dreg:$0x0];
	s2 =	stileid.u32  }
0x123: {  	s1 =	rddreg [dreg:$0x1];
	p0 =	sne.s32 s2, $0x0  }
0x124: {  	s3 =	rddreg [dreg:$0x2];
	[bflag:$0x3] =	sbarrier.arrive $0xFFFF;
	s2 =	simm.s32 @!p0 $0x1C04  }
0x125: {  	[timem:s3], [sflag:s2] =	dma.local @!p0 [hbm:s0], s1  }
0x126: {  	s0 =	simm.s32 @!p0 $0x4  }
0x127: {  	_ =	swait.ge @!p0 [sflag:s0], s1  }
0x128: {  	s1 =	ssub.s32 @!p0 $0x0, s1;
	[sflag:s0] =	ssyncset.done @!p0 $0x0  }
0x129: {  	[sflag:s0] =	ssyncadd.s32 @!p0 s1  }
0x12a: {  	[bflag:$0x3] =	sbarrier.arrive $0xFFFF  }
0x12b: {  	_ =	shalt  }

</sc_bundles>
